<compile_context>
chip_gen: v7x
topology: tpu7x:2x2x1
jax: 0.10.2.dev20260603
libtpu: 0.0.44.dev20260713+nightly
codegen_flags: <defaults>
</compile_context>

<pallas_src>
import functools

import jax
import jax.numpy as jnp
from jax import lax
from jax.experimental import pallas as pl
from jax.experimental.pallas import tpu as pltpu
from jax.experimental.pallas import tpu_sc as plsc

NUM_WORKERS = 32
LANES = 16
CHUNK = 128


@functools.lru_cache(maxsize=None)
def _build_phase1(V, D, N):
    assert D % LANES == 0
    per_w = N // NUM_WORKERS
    assert per_w * NUM_WORKERS == N and per_w % CHUNK == 0
    n_ch = per_w // CHUNK
    dsub = D // LANES
    mesh = plsc.VectorSubcoreMesh(core_axis_name="c", subcore_axis_name="s")

    @functools.partial(
        pl.kernel,
        mesh=mesh,
        out_type=(
            jax.ShapeDtypeStruct((NUM_WORKERS, 3 * LANES), jnp.float32),
            jax.ShapeDtypeStruct((N, D), jnp.float32),
        ),
        scratch_types=[
            pltpu.VMEM((per_w,), jnp.int32),
            pltpu.VMEM((per_w,), jnp.int32),
            pltpu.VMEM((CHUNK, D), jnp.float32),
            pltpu.VMEM((CHUNK, D), jnp.float32),
            pltpu.VMEM((CHUNK, D), jnp.float32),
            pltpu.VMEM((CHUNK, D), jnp.float32),
            pltpu.VMEM((3 * LANES,), jnp.float32),
            pltpu.SemaphoreType.DMA,
            pltpu.SemaphoreType.DMA,
            pltpu.SemaphoreType.DMA,
            pltpu.SemaphoreType.DMA,
            pltpu.SemaphoreType.DMA,
            pltpu.SemaphoreType.DMA,
        ],
    )
    def phase1(table_h, left_h, right_h, part_h, raw_h,
               idxl, idxr, lb0, lb1, rb0, rb1, stage,
               sgl0, sgl1, sgr0, sgr1, sw0, sw1):
        wid = lax.axis_index("s") * 2 + lax.axis_index("c")
        base = pl.multiple_of(wid * per_w, 8)
        pltpu.sync_copy(left_h.at[pl.ds(base, per_w)], idxl)
        pltpu.sync_copy(right_h.at[pl.ds(base, per_w)], idxr)
        lb, rb = (lb0, lb1), (rb0, rb1)
        sgl, sgr, sw = (sgl0, sgl1), (sgr0, sgr1), (sw0, sw1)

        def fire_gather(c, b):
            off = pl.multiple_of(c * CHUNK, 8)
            pltpu.async_copy(table_h.at[idxl.at[pl.ds(off, CHUNK)]],
                             lb[b], sgl[b])
            pltpu.async_copy(table_h.at[idxr.at[pl.ds(off, CHUNK)]],
                             rb[b], sgr[b])

        def wait_gather(b):
            pltpu.make_async_copy(table_h.at[pl.ds(0, CHUNK)],
                                  lb[b], sgl[b]).wait()
            pltpu.make_async_copy(table_h.at[pl.ds(0, CHUNK)],
                                  rb[b], sgr[b]).wait()

        def fire_write(c, b):
            off = pl.multiple_of(base + c * CHUNK, 8)
            pltpu.async_copy(rb[b], raw_h.at[pl.ds(off, CHUNK)], sw[b])

        def wait_write(b):
            pltpu.make_async_copy(rb[b], raw_h.at[pl.ds(0, CHUNK)],
                                  sw[b]).wait()

        def compute(b, accs):
            def row_body(r, a):
                a = list(a)
                for j in range(dsub):
                    lv = lb[b][r, pl.ds(j * LANES, LANES)]
                    rv = rb[b][r, pl.ds(j * LANES, LANES)]
                    a[j] = a[j] + lv * rv
                    a[dsub + j] = a[dsub + j] + lv * lv
                    a[2 * dsub + j] = a[2 * dsub + j] + rv * rv
                return tuple(a)
            return lax.fori_loop(0, CHUNK, row_body, accs)

        n_pairs = n_ch // 2
        fire_gather(0, 0)

        def pair_body(g, accs):
            @pl.when(g > 0)
            def _():
                wait_write(1)
            fire_gather(2 * g + 1, 1)
            wait_gather(0)
            fire_write(2 * g, 0)
            accs = compute(0, accs)
            wait_write(0)
            @pl.when(g < n_pairs - 1)
            def _():
                fire_gather(2 * g + 2, 0)
            wait_gather(1)
            fire_write(2 * g + 1, 1)
            accs = compute(1, accs)
            return accs

        zero = jnp.zeros((LANES,), jnp.float32)
        accs = lax.fori_loop(0, n_pairs, pair_body,
                             tuple(zero for _ in range(3 * dsub)))
        wait_write(1)

        def tree_sum(vs):
            vs = list(vs)
            while len(vs) > 1:
                vs = [vs[i] + vs[i + 1] for i in range(0, len(vs) - 1, 2)] + (
                    [vs[-1]] if len(vs) % 2 else [])
            return vs[0]

        stage[pl.ds(0, LANES)] = tree_sum(accs[0:dsub])
        stage[pl.ds(LANES, LANES)] = tree_sum(accs[dsub:2 * dsub])
        stage[pl.ds(2 * LANES, LANES)] = tree_sum(accs[2 * dsub:3 * dsub])
        pltpu.sync_copy(stage, part_h.at[wid])

    return phase1


@functools.lru_cache(maxsize=None)
def _build_phase2(B, H, D):
    BB = 256
    assert B % BB == 0

    def scale_fn(scale_ref, raw_ref, out_ref):
        out_ref[...] = raw_ref[...] * scale_ref[0]

    return pl.pallas_call(
        scale_fn,
        grid=(B // BB,),
        in_specs=[
            pl.BlockSpec(memory_space=pltpu.SMEM),
            pl.BlockSpec((H, BB, D), lambda i: (0, i, 0)),
        ],
        out_specs=pl.BlockSpec((H, BB, D), lambda i: (0, i, 0)),
        out_shape=jax.ShapeDtypeStruct((H, B, D), jnp.float32),
    )


def kernel(table, left, right):
    V, D = table.shape
    B, H = left.shape
    N = B * H
    phase1 = _build_phase1(V, D, N)
    phase2 = _build_phase2(B, H, D)
    li = left.astype(jnp.int32).T.reshape(-1)
    ri = right.astype(jnp.int32).T.reshape(-1)
    part, raw = phase1(table, li, ri)
    dot = jnp.sum(part[:, 0:LANES])
    ssq_l = jnp.sum(part[:, LANES:2 * LANES])
    ssq_r = jnp.sum(part[:, 2 * LANES:3 * LANES])
    fro_l = jnp.sqrt(ssq_l)
    fro_r = jnp.sqrt(ssq_r)
    loss = dot / (fro_l * fro_r)
    scale = (1.0 / fro_r).reshape(1).astype(jnp.float32)
    out_t = phase2(scale, raw.reshape(H, B, D))
    return out_t.transpose(1, 0, 2), -loss

# --- scband reference (transcript-rebuilt; emitter-appended) ---
"""Pipeline reference for scband-model-43817256354256 (READ-ONLY COPY).

The authoritative reference and input builder live on the scoring server;
editing this copy changes nothing except your own understanding.
"""

import jax, jax.numpy as jnp
import numpy as np

FEATURE_NUM = 100000
EMB_DIM = 128
BATCH = 4096
HIST = 50

def setup_inputs(seed: int = 0) -> dict:
    key = jax.random.key(seed)
    k_tab, k_l, k_r = jax.random.split(key, 3)
    table = jax.random.normal(k_tab, (FEATURE_NUM, EMB_DIM), dtype=jnp.float32)
    left = jax.random.randint(k_l, (BATCH, HIST), 0, FEATURE_NUM, dtype=jnp.int64)
    right = jax.random.randint(k_r, (BATCH, HIST), 0, FEATURE_NUM, dtype=jnp.int64)
    return {"table": table, "left": left, "right": right}

def _embed_norm(table, idx):
    emb = jnp.take(table, idx, axis=0)
    fro = jnp.sqrt(jnp.sum(emb * emb))
    return emb / fro

def reference(table, left, right):
    left_emb = _embed_norm(table, left)
    right_emb = _embed_norm(table, right)
    loss = jnp.sum(left_emb * right_emb)
    return (jax.lax.stop_gradient(right_emb), -loss)

if __name__ == "__main__":
    import jax
    _d = setup_inputs()
    print(jax.jit(kernel)(*tuple(_d.values())))

</pallas_src>

<mosaic_0001>
#map = affine_map<(d0, d1) -> (0, 0)>
#map1 = affine_map<(d0, d1) -> (0)>
module attributes {stable_mosaic.version = 14 : i64} {
  func.func @phase1(%arg0: i32, %arg1: i32, %arg2: memref<100000x128xf32, #tpu.memory_space<hbm>>, %arg3: memref<204800xi32, #tpu.memory_space<hbm>>, %arg4: memref<204800xi32, #tpu.memory_space<hbm>>, %arg5: memref<32x48xf32, #tpu.memory_space<hbm>>, %arg6: memref<204800x128xf32, #tpu.memory_space<hbm>>, %arg7: memref<6400xi32, #tpu.memory_space<vmem>>, %arg8: memref<6400xi32, #tpu.memory_space<vmem>>, %arg9: memref<128x128xf32, #tpu.memory_space<vmem>>, %arg10: memref<128x128xf32, #tpu.memory_space<vmem>>, %arg11: memref<128x128xf32, #tpu.memory_space<vmem>>, %arg12: memref<128x128xf32, #tpu.memory_space<vmem>>, %arg13: memref<48xf32, #tpu.memory_space<vmem>>, %arg14: memref<!tpu.dma_semaphore, #tpu.memory_space<semaphore_mem>>, %arg15: memref<!tpu.dma_semaphore, #tpu.memory_space<semaphore_mem>>, %arg16: memref<!tpu.dma_semaphore, #tpu.memory_space<semaphore_mem>>, %arg17: memref<!tpu.dma_semaphore, #tpu.memory_space<semaphore_mem>>, %arg18: memref<!tpu.dma_semaphore, #tpu.memory_space<semaphore_mem>>, %arg19: memref<!tpu.dma_semaphore, #tpu.memory_space<semaphore_mem>>) attributes {dimension_semantics = [#tpu.dimension_semantics<core_parallel>, #tpu.dimension_semantics<subcore_parallel>], iteration_bounds = array<i64: 2, 16>, scalar_prefetch = 0 : i64, scratch_operands = 13 : i64, tpu.core_type = #tpu.core_type<sc_vector_subcore>, window_params = [{transform_indices = #map}, {transform_indices = #map1}, {transform_indices = #map1}, {transform_indices = #map}, {transform_indices = #map}]} {
    %mul3A = arith.constant 2 : i32
    %mul3A_0 = arith.muli %arg1, %mul3A : i32
    %add3A = arith.addi %mul3A_0, %arg0 : i32
    %mul3A_1 = arith.constant 6400 : i32
    %mul3A_2 = arith.muli %add3A, %mul3A_1 : i32
    %multiple_of3A = tpu.assume_multiple %mul3A_2, 8 : i32
    "tpu.region"() ({
      %run_scoped3A = tpu.sem_alloc : memref<!tpu.dma_semaphore, #tpu.memory_space<semaphore_mem>>
      %dma_start3A_55 = tpu.memref_slice %arg3[%multiple_of3A] : memref<204800xi32, #tpu.memory_space<hbm>> -> memref<6400xi32, #tpu.memory_space<hbm>>
      %dma_start3A_56 = tpu.memref_slice %arg3[%multiple_of3A] : memref<204800xi32, #tpu.memory_space<hbm>> -> memref<6400xi32, #tpu.memory_space<hbm>>
      tpu.enqueue_dma source(%dma_start3A_56 : memref<6400xi32, #tpu.memory_space<hbm>>) target(%arg7 : memref<6400xi32, #tpu.memory_space<vmem>>) target_semaphore(%run_scoped3A : memref<!tpu.dma_semaphore, #tpu.memory_space<semaphore_mem>>)
      %dma_wait3A_57 = tpu.memref_slice %arg3[%multiple_of3A] : memref<204800xi32, #tpu.memory_space<hbm>> -> memref<6400xi32, #tpu.memory_space<hbm>>
      %dma_wait3A_58 = tpu.memref_slice %arg3[%multiple_of3A] : memref<204800xi32, #tpu.memory_space<hbm>> -> memref<6400xi32, #tpu.memory_space<hbm>>
      tpu.wait_dma2 semaphore(%run_scoped3A : memref<!tpu.dma_semaphore, #tpu.memory_space<semaphore_mem>>) src(%dma_wait3A_58 : memref<6400xi32, #tpu.memory_space<hbm>>) dst(%arg7 : memref<6400xi32, #tpu.memory_space<vmem>>)
      tpu.yield
    }) : () -> ()
    "tpu.region"() ({
      %run_scoped3A = tpu.sem_alloc : memref<!tpu.dma_semaphore, #tpu.memory_space<semaphore_mem>>
      %dma_start3A_55 = tpu.memref_slice %arg4[%multiple_of3A] : memref<204800xi32, #tpu.memory_space<hbm>> -> memref<6400xi32, #tpu.memory_space<hbm>>
      %dma_start3A_56 = tpu.memref_slice %arg4[%multiple_of3A] : memref<204800xi32, #tpu.memory_space<hbm>> -> memref<6400xi32, #tpu.memory_space<hbm>>
      tpu.enqueue_dma source(%dma_start3A_56 : memref<6400xi32, #tpu.memory_space<hbm>>) target(%arg8 : memref<6400xi32, #tpu.memory_space<vmem>>) target_semaphore(%run_scoped3A : memref<!tpu.dma_semaphore, #tpu.memory_space<semaphore_mem>>)
      %dma_wait3A_57 = tpu.memref_slice %arg4[%multiple_of3A] : memref<204800xi32, #tpu.memory_space<hbm>> -> memref<6400xi32, #tpu.memory_space<hbm>>
      %dma_wait3A_58 = tpu.memref_slice %arg4[%multiple_of3A] : memref<204800xi32, #tpu.memory_space<hbm>> -> memref<6400xi32, #tpu.memory_space<hbm>>
      tpu.wait_dma2 semaphore(%run_scoped3A : memref<!tpu.dma_semaphore, #tpu.memory_space<semaphore_mem>>) src(%dma_wait3A_58 : memref<6400xi32, #tpu.memory_space<hbm>>) dst(%arg8 : memref<6400xi32, #tpu.memory_space<vmem>>)
      tpu.yield
    }) : () -> ()
    %multiple_of3A_3 = arith.constant 0 : i32
    %multiple_of3A_4 = tpu.assume_multiple %multiple_of3A_3, 8 : i32
    %dma_start3A = tpu.memref_slice %arg7[%multiple_of3A_4] : memref<6400xi32, #tpu.memory_space<vmem>> -> memref<128xi32, #tpu.memory_space<vmem>>
    %dma_start3A_5 = arith.constant 0 : i32
    %dma_start3A_6 = arith.constant 0 : i32
    %dma_start3A_7 = tpu.memref_slice %arg2[%dma_start3A_5, %dma_start3A_6] : memref<100000x128xf32, #tpu.memory_space<hbm>> -> memref<100000x128xf32, #tpu.memory_space<hbm>>
    tpu.enqueue_indirect_dma source(%dma_start3A_7 : memref<100000x128xf32, #tpu.memory_space<hbm>>) target(%arg9 : memref<128x128xf32, #tpu.memory_space<vmem>>) offsets(%dma_start3A : memref<128xi32, #tpu.memory_space<vmem>>) semaphore(%arg14 : memref<!tpu.dma_semaphore, #tpu.memory_space<semaphore_mem>>)
    %dma_start3A_8 = tpu.memref_slice %arg8[%multiple_of3A_4] : memref<6400xi32, #tpu.memory_space<vmem>> -> memref<128xi32, #tpu.memory_space<vmem>>
    %dma_start3A_9 = arith.constant 0 : i32
    %dma_start3A_10 = arith.constant 0 : i32
    %dma_start3A_11 = tpu.memref_slice %arg2[%dma_start3A_9, %dma_start3A_10] : memref<100000x128xf32, #tpu.memory_space<hbm>> -> memref<100000x128xf32, #tpu.memory_space<hbm>>
    tpu.enqueue_indirect_dma source(%dma_start3A_11 : memref<100000x128xf32, #tpu.memory_space<hbm>>) target(%arg11 : memref<128x128xf32, #tpu.memory_space<vmem>>) offsets(%dma_start3A_8 : memref<128xi32, #tpu.memory_space<vmem>>) semaphore(%arg16 : memref<!tpu.dma_semaphore, #tpu.memory_space<semaphore_mem>>)
    %broadcast_in_dim3A = arith.constant 0.000000e+00 : f32
    %broadcast_in_dim3A_12 = vector.broadcast %broadcast_in_dim3A : f32 to vector<16xf32>
    %scan3A = arith.constant 0 : i32
    %scan3A_13 = arith.constant 25 : i32
    %scan3A_14 = arith.addi %scan3A, %scan3A_13 : i32
    %scan3A_15 = arith.constant 1 : i32
    %scan3A_16:24 = scf.for %scan3A_55 = %scan3A to %scan3A_14 step %scan3A_15 iter_args(%scan3A_56 = %broadcast_in_dim3A_12, %scan3A_57 = %broadcast_in_dim3A_12, %scan3A_58 = %broadcast_in_dim3A_12, %scan3A_59 = %broadcast_in_dim3A_12, %scan3A_60 = %broadcast_in_dim3A_12, %scan3A_61 = %broadcast_in_dim3A_12, %scan3A_62 = %broadcast_in_dim3A_12, %scan3A_63 = %broadcast_in_dim3A_12, %scan3A_64 = %broadcast_in_dim3A_12, %scan3A_65 = %broadcast_in_dim3A_12, %scan3A_66 = %broadcast_in_dim3A_12, %scan3A_67 = %broadcast_in_dim3A_12, %scan3A_68 = %broadcast_in_dim3A_12, %scan3A_69 = %broadcast_in_dim3A_12, %scan3A_70 = %broadcast_in_dim3A_12, %scan3A_71 = %broadcast_in_dim3A_12, %scan3A_72 = %broadcast_in_dim3A_12, %scan3A_73 = %broadcast_in_dim3A_12, %scan3A_74 = %broadcast_in_dim3A_12, %scan3A_75 = %broadcast_in_dim3A_12, %scan3A_76 = %broadcast_in_dim3A_12, %scan3A_77 = %broadcast_in_dim3A_12, %scan3A_78 = %broadcast_in_dim3A_12, %scan3A_79 = %broadcast_in_dim3A_12) -> (vector<16xf32>, vector<16xf32>, vector<16xf32>, vector<16xf32>, vector<16xf32>, vector<16xf32>, vector<16xf32>, vector<16xf32>, vector<16xf32>, vector<16xf32>, vector<16xf32>, vector<16xf32>, vector<16xf32>, vector<16xf32>, vector<16xf32>, vector<16xf32>, vector<16xf32>, vector<16xf32>, vector<16xf32>, vector<16xf32>, vector<16xf32>, vector<16xf32>, vector<16xf32>, vector<16xf32>)  : i32 {
      %gt3A = arith.constant 0 : i32
      %gt3A_80 = arith.cmpi sgt, %scan3A_55, %gt3A : i32
      %convert_element_type3A = arith.extui %gt3A_80 : i1 to i32
      %cond3A = arith.constant 0 : i32
      %cond3A_81 = arith.cmpi ne, %convert_element_type3A, %cond3A : i32
      scf.if %cond3A_81 {
        %dma_wait3A_165 = arith.constant 0 : i32
        %dma_wait3A_166 = arith.constant 0 : i32
        %dma_wait3A_167 = tpu.memref_slice %arg6[%dma_wait3A_165, %dma_wait3A_166] : memref<204800x128xf32, #tpu.memory_space<hbm>> -> memref<128x128xf32, #tpu.memory_space<hbm>>
        %dma_wait3A_168 = arith.constant 0 : i32
        %dma_wait3A_169 = arith.constant 0 : i32
        %dma_wait3A_170 = tpu.memref_slice %arg6[%dma_wait3A_168, %dma_wait3A_169] : memref<204800x128xf32, #tpu.memory_space<hbm>> -> memref<128x128xf32, #tpu.memory_space<hbm>>
        tpu.wait_dma2 semaphore(%arg19 : memref<!tpu.dma_semaphore, #tpu.memory_space<semaphore_mem>>) src(%arg12 : memref<128x128xf32, #tpu.memory_space<vmem>>) dst(%dma_wait3A_170 : memref<128x128xf32, #tpu.memory_space<hbm>>)
      } else {
      }
      %mul3A_82 = arith.constant 2 : i32
      %mul3A_83 = arith.muli %mul3A_82, %scan3A_55 : i32
      %add3A_84 = arith.constant 1 : i32
      %add3A_85 = arith.addi %mul3A_83, %add3A_84 : i32
      %mul3A_86 = arith.constant 128 : i32
      %mul3A_87 = arith.muli %add3A_85, %mul3A_86 : i32
      %multiple_of3A_88 = tpu.assume_multiple %mul3A_87, 8 : i32
      %dma_start3A_89 = tpu.memref_slice %arg7[%multiple_of3A_88] : memref<6400xi32, #tpu.memory_space<vmem>> -> memref<128xi32, #tpu.memory_space<vmem>>
      %dma_start3A_90 = arith.constant 0 : i32
      %dma_start3A_91 = arith.constant 0 : i32
      %dma_start3A_92 = tpu.memref_slice %arg2[%dma_start3A_90, %dma_start3A_91] : memref<100000x128xf32, #tpu.memory_space<hbm>> -> memref<100000x128xf32, #tpu.memory_space<hbm>>
      tpu.enqueue_indirect_dma source(%dma_start3A_92 : memref<100000x128xf32, #tpu.memory_space<hbm>>) target(%arg10 : memref<128x128xf32, #tpu.memory_space<vmem>>) offsets(%dma_start3A_89 : memref<128xi32, #tpu.memory_space<vmem>>) semaphore(%arg15 : memref<!tpu.dma_semaphore, #tpu.memory_space<semaphore_mem>>)
      %dma_start3A_93 = tpu.memref_slice %arg8[%multiple_of3A_88] : memref<6400xi32, #tpu.memory_space<vmem>> -> memref<128xi32, #tpu.memory_space<vmem>>
      %dma_start3A_94 = arith.constant 0 : i32
      %dma_start3A_95 = arith.constant 0 : i32
      %dma_start3A_96 = tpu.memref_slice %arg2[%dma_start3A_94, %dma_start3A_95] : memref<100000x128xf32, #tpu.memory_space<hbm>> -> memref<100000x128xf32, #tpu.memory_space<hbm>>
      tpu.enqueue_indirect_dma source(%dma_start3A_96 : memref<100000x128xf32, #tpu.memory_space<hbm>>) target(%arg12 : memref<128x128xf32, #tpu.memory_space<vmem>>) offsets(%dma_start3A_93 : memref<128xi32, #tpu.memory_space<vmem>>) semaphore(%arg17 : memref<!tpu.dma_semaphore, #tpu.memory_space<semaphore_mem>>)
      %dma_wait3A_97 = arith.constant 0 : i32
      %dma_wait3A_98 = arith.constant 0 : i32
      %dma_wait3A_99 = tpu.memref_slice %arg2[%dma_wait3A_97, %dma_wait3A_98] : memref<100000x128xf32, #tpu.memory_space<hbm>> -> memref<128x128xf32, #tpu.memory_space<hbm>>
      %dma_wait3A_100 = arith.constant 0 : i32
      %dma_wait3A_101 = arith.constant 0 : i32
      %dma_wait3A_102 = tpu.memref_slice %arg2[%dma_wait3A_100, %dma_wait3A_101] : memref<100000x128xf32, #tpu.memory_space<hbm>> -> memref<128x128xf32, #tpu.memory_space<hbm>>
      tpu.wait_dma2 semaphore(%arg14 : memref<!tpu.dma_semaphore, #tpu.memory_space<semaphore_mem>>) src(%dma_wait3A_102 : memref<128x128xf32, #tpu.memory_space<hbm>>) dst(%arg9 : memref<128x128xf32, #tpu.memory_space<vmem>>)
      %dma_wait3A_103 = arith.constant 0 : i32
      %dma_wait3A_104 = arith.constant 0 : i32
      %dma_wait3A_105 = tpu.memref_slice %arg2[%dma_wait3A_103, %dma_wait3A_104] : memref<100000x128xf32, #tpu.memory_space<hbm>> -> memref<128x128xf32, #tpu.memory_space<hbm>>
      %dma_wait3A_106 = arith.constant 0 : i32
      %dma_wait3A_107 = arith.constant 0 : i32
      %dma_wait3A_108 = tpu.memref_slice %arg2[%dma_wait3A_106, %dma_wait3A_107] : memref<100000x128xf32, #tpu.memory_space<hbm>> -> memref<128x128xf32, #tpu.memory_space<hbm>>
      tpu.wait_dma2 semaphore(%arg16 : memref<!tpu.dma_semaphore, #tpu.memory_space<semaphore_mem>>) src(%dma_wait3A_108 : memref<128x128xf32, #tpu.memory_space<hbm>>) dst(%arg11 : memref<128x128xf32, #tpu.memory_space<vmem>>)
      %mul3A_109 = arith.constant 2 : i32
      %mul3A_110 = arith.muli %mul3A_109, %scan3A_55 : i32
      %mul3A_111 = arith.constant 128 : i32
      %mul3A_112 = arith.muli %mul3A_110, %mul3A_111 : i32
      %add3A_113 = arith.addi %multiple_of3A, %mul3A_112 : i32
      %multiple_of3A_114 = tpu.assume_multiple %add3A_113, 8 : i32
      %dma_start3A_115 = arith.constant 0 : i32
      %dma_start3A_116 = tpu.memref_slice %arg6[%multiple_of3A_114, %dma_start3A_115] : memref<204800x128xf32, #tpu.memory_space<hbm>> -> memref<128x128xf32, #tpu.memory_space<hbm>>
      %dma_start3A_117 = arith.constant 0 : i32
      %dma_start3A_118 = tpu.memref_slice %arg6[%multiple_of3A_114, %dma_start3A_117] : memref<204800x128xf32, #tpu.memory_space<hbm>> -> memref<128x128xf32, #tpu.memory_space<hbm>>
      tpu.enqueue_dma source(%arg11 : memref<128x128xf32, #tpu.memory_space<vmem>>) target(%dma_start3A_118 : memref<128x128xf32, #tpu.memory_space<hbm>>) target_semaphore(%arg18 : memref<!tpu.dma_semaphore, #tpu.memory_space<semaphore_mem>>)
      %scan3A_119 = arith.constant 0 : i32
      %scan3A_120 = arith.constant 128 : i32
      %scan3A_121 = arith.addi %scan3A_119, %scan3A_120 : i32
      %scan3A_122 = arith.constant 1 : i32
      %scan3A_123:24 = scf.for %scan3A_165 = %scan3A_119 to %scan3A_121 step %scan3A_122 iter_args(%scan3A_166 = %scan3A_56, %scan3A_167 = %scan3A_57, %scan3A_168 = %scan3A_58, %scan3A_169 = %scan3A_59, %scan3A_170 = %scan3A_60, %scan3A_171 = %scan3A_61, %scan3A_172 = %scan3A_62, %scan3A_173 = %scan3A_63, %scan3A_174 = %scan3A_64, %scan3A_175 = %scan3A_65, %scan3A_176 = %scan3A_66, %scan3A_177 = %scan3A_67, %scan3A_178 = %scan3A_68, %scan3A_179 = %scan3A_69, %scan3A_180 = %scan3A_70, %scan3A_181 = %scan3A_71, %scan3A_182 = %scan3A_72, %scan3A_183 = %scan3A_73, %scan3A_184 = %scan3A_74, %scan3A_185 = %scan3A_75, %scan3A_186 = %scan3A_76, %scan3A_187 = %scan3A_77, %scan3A_188 = %scan3A_78, %scan3A_189 = %scan3A_79) -> (vector<16xf32>, vector<16xf32>, vector<16xf32>, vector<16xf32>, vector<16xf32>, vector<16xf32>, vector<16xf32>, vector<16xf32>, vector<16xf32>, vector<16xf32>, vector<16xf32>, vector<16xf32>, vector<16xf32>, vector<16xf32>, vector<16xf32>, vector<16xf32>, vector<16xf32>, vector<16xf32>, vector<16xf32>, vector<16xf32>, vector<16xf32>, vector<16xf32>, vector<16xf32>, vector<16xf32>)  : i32 {
        %get3A = arith.index_cast %scan3A_165 : i32 to index
        %get3A_190 = arith.constant 0 : index
        %get3A_191 = tpu.vector_load %arg9[%get3A, %get3A_190] {strides = array<i32>} : memref<128x128xf32, #tpu.memory_space<vmem>>, vector<1x16xf32>,
        %get3A_192 = vector.shape_cast %get3A_191 : vector<1x16xf32> to vector<16xf32>
        %get3A_193 = arith.index_cast %scan3A_165 : i32 to index
        %get3A_194 = arith.constant 0 : index
        %get3A_195 = tpu.vector_load %arg11[%get3A_193, %get3A_194] {strides = array<i32>} : memref<128x128xf32, #tpu.memory_space<vmem>>, vector<1x16xf32>,
        %get3A_196 = vector.shape_cast %get3A_195 : vector<1x16xf32> to vector<16xf32>
        %mul3A_197 = arith.mulf %get3A_192, %get3A_196 : vector<16xf32>
        %add3A_198 = arith.addf %scan3A_166, %mul3A_197 : vector<16xf32>
        %mul3A_199 = arith.mulf %get3A_192, %get3A_192 : vector<16xf32>
        %add3A_200 = arith.addf %scan3A_174, %mul3A_199 : vector<16xf32>
        %mul3A_201 = arith.mulf %get3A_196, %get3A_196 : vector<16xf32>
        %add3A_202 = arith.addf %scan3A_182, %mul3A_201 : vector<16xf32>
        %get3A_203 = arith.index_cast %scan3A_165 : i32 to index
        %get3A_204 = arith.constant 16 : index
        %get3A_205 = tpu.vector_load %arg9[%get3A_203, %get3A_204] {strides = array<i32>} : memref<128x128xf32, #tpu.memory_space<vmem>>, vector<1x16xf32>,
        %get3A_206 = vector.shape_cast %get3A_205 : vector<1x16xf32> to vector<16xf32>
        %get3A_207 = arith.index_cast %scan3A_165 : i32 to index
        %get3A_208 = arith.constant 16 : index
        %get3A_209 = tpu.vector_load %arg11[%get3A_207, %get3A_208] {strides = array<i32>} : memref<128x128xf32, #tpu.memory_space<vmem>>, vector<1x16xf32>,
        %get3A_210 = vector.shape_cast %get3A_209 : vector<1x16xf32> to vector<16xf32>
        %mul3A_211 = arith.mulf %get3A_206, %get3A_210 : vector<16xf32>
        %add3A_212 = arith.addf %scan3A_167, %mul3A_211 : vector<16xf32>
        %mul3A_213 = arith.mulf %get3A_206, %get3A_206 : vector<16xf32>
        %add3A_214 = arith.addf %scan3A_175, %mul3A_213 : vector<16xf32>
        %mul3A_215 = arith.mulf %get3A_210, %get3A_210 : vector<16xf32>
        %add3A_216 = arith.addf %scan3A_183, %mul3A_215 : vector<16xf32>
        %get3A_217 = arith.index_cast %scan3A_165 : i32 to index
        %get3A_218 = arith.constant 32 : index
        %get3A_219 = tpu.vector_load %arg9[%get3A_217, %get3A_218] {strides = array<i32>} : memref<128x128xf32, #tpu.memory_space<vmem>>, vector<1x16xf32>,
        %get3A_220 = vector.shape_cast %get3A_219 : vector<1x16xf32> to vector<16xf32>
        %get3A_221 = arith.index_cast %scan3A_165 : i32 to index
        %get3A_222 = arith.constant 32 : index
        %get3A_223 = tpu.vector_load %arg11[%get3A_221, %get3A_222] {strides = array<i32>} : memref<128x128xf32, #tpu.memory_space<vmem>>, vector<1x16xf32>,
        %get3A_224 = vector.shape_cast %get3A_223 : vector<1x16xf32> to vector<16xf32>
        %mul3A_225 = arith.mulf %get3A_220, %get3A_224 : vector<16xf32>
        %add3A_226 = arith.addf %scan3A_168, %mul3A_225 : vector<16xf32>
        %mul3A_227 = arith.mulf %get3A_220, %get3A_220 : vector<16xf32>
        %add3A_228 = arith.addf %scan3A_176, %mul3A_227 : vector<16xf32>
        %mul3A_229 = arith.mulf %get3A_224, %get3A_224 : vector<16xf32>
        %add3A_230 = arith.addf %scan3A_184, %mul3A_229 : vector<16xf32>
        %get3A_231 = arith.index_cast %scan3A_165 : i32 to index
        %get3A_232 = arith.constant 48 : index
        %get3A_233 = tpu.vector_load %arg9[%get3A_231, %get3A_232] {strides = array<i32>} : memref<128x128xf32, #tpu.memory_space<vmem>>, vector<1x16xf32>,
        %get3A_234 = vector.shape_cast %get3A_233 : vector<1x16xf32> to vector<16xf32>
        %get3A_235 = arith.index_cast %scan3A_165 : i32 to index
        %get3A_236 = arith.constant 48 : index
        %get3A_237 = tpu.vector_load %arg11[%get3A_235, %get3A_236] {strides = array<i32>} : memref<128x128xf32, #tpu.memory_space<vmem>>, vector<1x16xf32>,
        %get3A_238 = vector.shape_cast %get3A_237 : vector<1x16xf32> to vector<16xf32>
        %mul3A_239 = arith.mulf %get3A_234, %get3A_238 : vector<16xf32>
        %add3A_240 = arith.addf %scan3A_169, %mul3A_239 : vector<16xf32>
        %mul3A_241 = arith.mulf %get3A_234, %get3A_234 : vector<16xf32>
        %add3A_242 = arith.addf %scan3A_177, %mul3A_241 : vector<16xf32>
        %mul3A_243 = arith.mulf %get3A_238, %get3A_238 : vector<16xf32>
        %add3A_244 = arith.addf %scan3A_185, %mul3A_243 : vector<16xf32>
        %get3A_245 = arith.index_cast %scan3A_165 : i32 to index
        %get3A_246 = arith.constant 64 : index
        %get3A_247 = tpu.vector_load %arg9[%get3A_245, %get3A_246] {strides = array<i32>} : memref<128x128xf32, #tpu.memory_space<vmem>>, vector<1x16xf32>,
        %get3A_248 = vector.shape_cast %get3A_247 : vector<1x16xf32> to vector<16xf32>
        %get3A_249 = arith.index_cast %scan3A_165 : i32 to index
        %get3A_250 = arith.constant 64 : index
        %get3A_251 = tpu.vector_load %arg11[%get3A_249, %get3A_250] {strides = array<i32>} : memref<128x128xf32, #tpu.memory_space<vmem>>, vector<1x16xf32>,
        %get3A_252 = vector.shape_cast %get3A_251 : vector<1x16xf32> to vector<16xf32>
        %mul3A_253 = arith.mulf %get3A_248, %get3A_252 : vector<16xf32>
        %add3A_254 = arith.addf %scan3A_170, %mul3A_253 : vector<16xf32>
        %mul3A_255 = arith.mulf %get3A_248, %get3A_248 : vector<16xf32>
        %add3A_256 = arith.addf %scan3A_178, %mul3A_255 : vector<16xf32>
        %mul3A_257 = arith.mulf %get3A_252, %get3A_252 : vector<16xf32>
        %add3A_258 = arith.addf %scan3A_186, %mul3A_257 : vector<16xf32>
        %get3A_259 = arith.index_cast %scan3A_165 : i32 to index
        %get3A_260 = arith.constant 80 : index
        %get3A_261 = tpu.vector_load %arg9[%get3A_259, %get3A_260] {strides = array<i32>} : memref<128x128xf32, #tpu.memory_space<vmem>>, vector<1x16xf32>,
        %get3A_262 = vector.shape_cast %get3A_261 : vector<1x16xf32> to vector<16xf32>
        %get3A_263 = arith.index_cast %scan3A_165 : i32 to index
        %get3A_264 = arith.constant 80 : index
        %get3A_265 = tpu.vector_load %arg11[%get3A_263, %get3A_264] {strides = array<i32>} : memref<128x128xf32, #tpu.memory_space<vmem>>, vector<1x16xf32>,
        %get3A_266 = vector.shape_cast %get3A_265 : vector<1x16xf32> to vector<16xf32>
        %mul3A_267 = arith.mulf %get3A_262, %get3A_266 : vector<16xf32>
        %add3A_268 = arith.addf %scan3A_171, %mul3A_267 : vector<16xf32>
        %mul3A_269 = arith.mulf %get3A_262, %get3A_262 : vector<16xf32>
        %add3A_270 = arith.addf %scan3A_179, %mul3A_269 : vector<16xf32>
        %mul3A_271 = arith.mulf %get3A_266, %get3A_266 : vector<16xf32>
        %add3A_272 = arith.addf %scan3A_187, %mul3A_271 : vector<16xf32>
        %get3A_273 = arith.index_cast %scan3A_165 : i32 to index
        %get3A_274 = arith.constant 96 : index
        %get3A_275 = tpu.vector_load %arg9[%get3A_273, %get3A_274] {strides = array<i32>} : memref<128x128xf32, #tpu.memory_space<vmem>>, vector<1x16xf32>,
        %get3A_276 = vector.shape_cast %get3A_275 : vector<1x16xf32> to vector<16xf32>
        %get3A_277 = arith.index_cast %scan3A_165 : i32 to index
        %get3A_278 = arith.constant 96 : index
        %get3A_279 = tpu.vector_load %arg11[%get3A_277, %get3A_278] {strides = array<i32>} : memref<128x128xf32, #tpu.memory_space<vmem>>, vector<1x16xf32>,
        %get3A_280 = vector.shape_cast %get3A_279 : vector<1x16xf32> to vector<16xf32>
        %mul3A_281 = arith.mulf %get3A_276, %get3A_280 : vector<16xf32>
        %add3A_282 = arith.addf %scan3A_172, %mul3A_281 : vector<16xf32>
        %mul3A_283 = arith.mulf %get3A_276, %get3A_276 : vector<16xf32>
        %add3A_284 = arith.addf %scan3A_180, %mul3A_283 : vector<16xf32>
        %mul3A_285 = arith.mulf %get3A_280, %get3A_280 : vector<16xf32>
        %add3A_286 = arith.addf %scan3A_188, %mul3A_285 : vector<16xf32>
        %get3A_287 = arith.index_cast %scan3A_165 : i32 to index
        %get3A_288 = arith.constant 112 : index
        %get3A_289 = tpu.vector_load %arg9[%get3A_287, %get3A_288] {strides = array<i32>} : memref<128x128xf32, #tpu.memory_space<vmem>>, vector<1x16xf32>,
        %get3A_290 = vector.shape_cast %get3A_289 : vector<1x16xf32> to vector<16xf32>
        %get3A_291 = arith.index_cast %scan3A_165 : i32 to index
        %get3A_292 = arith.constant 112 : index
        %get3A_293 = tpu.vector_load %arg11[%get3A_291, %get3A_292] {strides = array<i32>} : memref<128x128xf32, #tpu.memory_space<vmem>>, vector<1x16xf32>,
        %get3A_294 = vector.shape_cast %get3A_293 : vector<1x16xf32> to vector<16xf32>
        %mul3A_295 = arith.mulf %get3A_290, %get3A_294 : vector<16xf32>
        %add3A_296 = arith.addf %scan3A_173, %mul3A_295 : vector<16xf32>
        %mul3A_297 = arith.mulf %get3A_290, %get3A_290 : vector<16xf32>
        %add3A_298 = arith.addf %scan3A_181, %mul3A_297 : vector<16xf32>
        %mul3A_299 = arith.mulf %get3A_294, %get3A_294 : vector<16xf32>
        %add3A_300 = arith.addf %scan3A_189, %mul3A_299 : vector<16xf32>
        scf.yield %add3A_198, %add3A_212, %add3A_226, %add3A_240, %add3A_254, %add3A_268, %add3A_282, %add3A_296, %add3A_200, %add3A_214, %add3A_228, %add3A_242, %add3A_256, %add3A_270, %add3A_284, %add3A_298, %add3A_202, %add3A_216, %add3A_230, %add3A_244, %add3A_258, %add3A_272, %add3A_286, %add3A_300 : vector<16xf32>, vector<16xf32>, vector<16xf32>, vector<16xf32>, vector<16xf32>, vector<16xf32>, vector<16xf32>, vector<16xf32>, vector<16xf32>, vector<16xf32>, vector<16xf32>, vector<16xf32>, vector<16xf32>, vector<16xf32>, vector<16xf32>, vector<16xf32>, vector<16xf32>, vector<16xf32>, vector<16xf32>, vector<16xf32>, vector<16xf32>, vector<16xf32>, vector<16xf32>, vector<16xf32>
      }
      %scan3A_124 = arith.constant 128 : i32
      %dma_wait3A_125 = arith.constant 0 : i32
      %dma_wait3A_126 = arith.constant 0 : i32
      %dma_wait3A_127 = tpu.memref_slice %arg6[%dma_wait3A_125, %dma_wait3A_126] : memref<204800x128xf32, #tpu.memory_space<hbm>> -> memref<128x128xf32, #tpu.memory_space<hbm>>
      %dma_wait3A_128 = arith.constant 0 : i32
      %dma_wait3A_129 = arith.constant 0 : i32
      %dma_wait3A_130 = tpu.memref_slice %arg6[%dma_wait3A_128, %dma_wait3A_129] : memref<204800x128xf32, #tpu.memory_space<hbm>> -> memref<128x128xf32, #tpu.memory_space<hbm>>
      tpu.wait_dma2 semaphore(%arg18 : memref<!tpu.dma_semaphore, #tpu.memory_space<semaphore_mem>>) src(%arg11 : memref<128x128xf32, #tpu.memory_space<vmem>>) dst(%dma_wait3A_130 : memref<128x128xf32, #tpu.memory_space<hbm>>)
      %lt3A = arith.constant 24 : i32
      %lt3A_131 = arith.cmpi slt, %scan3A_55, %lt3A : i32
      %convert_element_type3A_132 = arith.extui %lt3A_131 : i1 to i32
      %cond3A_133 = arith.constant 0 : i32
      %cond3A_134 = arith.cmpi ne, %convert_element_type3A_132, %cond3A_133 : i32
      scf.if %cond3A_134 {
        %mul3A_165 = arith.constant 2 : i32
        %mul3A_166 = arith.muli %mul3A_165, %scan3A_55 : i32
        %add3A_167 = arith.constant 2 : i32
        %add3A_168 = arith.addi %mul3A_166, %add3A_167 : i32
        %mul3A_169 = arith.constant 128 : i32
        %mul3A_170 = arith.muli %add3A_168, %mul3A_169 : i32
        %multiple_of3A_171 = tpu.assume_multiple %mul3A_170, 8 : i32
        %dma_start3A_172 = tpu.memref_slice %arg7[%multiple_of3A_171] : memref<6400xi32, #tpu.memory_space<vmem>> -> memref<128xi32, #tpu.memory_space<vmem>>
        %dma_start3A_173 = arith.constant 0 : i32
        %dma_start3A_174 = arith.constant 0 : i32
        %dma_start3A_175 = tpu.memref_slice %arg2[%dma_start3A_173, %dma_start3A_174] : memref<100000x128xf32, #tpu.memory_space<hbm>> -> memref<100000x128xf32, #tpu.memory_space<hbm>>
        tpu.enqueue_indirect_dma source(%dma_start3A_175 : memref<100000x128xf32, #tpu.memory_space<hbm>>) target(%arg9 : memref<128x128xf32, #tpu.memory_space<vmem>>) offsets(%dma_start3A_172 : memref<128xi32, #tpu.memory_space<vmem>>) semaphore(%arg14 : memref<!tpu.dma_semaphore, #tpu.memory_space<semaphore_mem>>)
        %dma_start3A_176 = tpu.memref_slice %arg8[%multiple_of3A_171] : memref<6400xi32, #tpu.memory_space<vmem>> -> memref<128xi32, #tpu.memory_space<vmem>>
        %dma_start3A_177 = arith.constant 0 : i32
        %dma_start3A_178 = arith.constant 0 : i32
        %dma_start3A_179 = tpu.memref_slice %arg2[%dma_start3A_177, %dma_start3A_178] : memref<100000x128xf32, #tpu.memory_space<hbm>> -> memref<100000x128xf32, #tpu.memory_space<hbm>>
        tpu.enqueue_indirect_dma source(%dma_start3A_179 : memref<100000x128xf32, #tpu.memory_space<hbm>>) target(%arg11 : memref<128x128xf32, #tpu.memory_space<vmem>>) offsets(%dma_start3A_176 : memref<128xi32, #tpu.memory_space<vmem>>) semaphore(%arg16 : memref<!tpu.dma_semaphore, #tpu.memory_space<semaphore_mem>>)
      } else {
      }
      %dma_wait3A_135 = arith.constant 0 : i32
      %dma_wait3A_136 = arith.constant 0 : i32
      %dma_wait3A_137 = tpu.memref_slice %arg2[%dma_wait3A_135, %dma_wait3A_136] : memref<100000x128xf32, #tpu.memory_space<hbm>> -> memref<128x128xf32, #tpu.memory_space<hbm>>
      %dma_wait3A_138 = arith.constant 0 : i32
      %dma_wait3A_139 = arith.constant 0 : i32
      %dma_wait3A_140 = tpu.memref_slice %arg2[%dma_wait3A_138, %dma_wait3A_139] : memref<100000x128xf32, #tpu.memory_space<hbm>> -> memref<128x128xf32, #tpu.memory_space<hbm>>
      tpu.wait_dma2 semaphore(%arg15 : memref<!tpu.dma_semaphore, #tpu.memory_space<semaphore_mem>>) src(%dma_wait3A_140 : memref<128x128xf32, #tpu.memory_space<hbm>>) dst(%arg10 : memref<128x128xf32, #tpu.memory_space<vmem>>)
      %dma_wait3A_141 = arith.constant 0 : i32
      %dma_wait3A_142 = arith.constant 0 : i32
      %dma_wait3A_143 = tpu.memref_slice %arg2[%dma_wait3A_141, %dma_wait3A_142] : memref<100000x128xf32, #tpu.memory_space<hbm>> -> memref<128x128xf32, #tpu.memory_space<hbm>>
      %dma_wait3A_144 = arith.constant 0 : i32
      %dma_wait3A_145 = arith.constant 0 : i32
      %dma_wait3A_146 = tpu.memref_slice %arg2[%dma_wait3A_144, %dma_wait3A_145] : memref<100000x128xf32, #tpu.memory_space<hbm>> -> memref<128x128xf32, #tpu.memory_space<hbm>>
      tpu.wait_dma2 semaphore(%arg17 : memref<!tpu.dma_semaphore, #tpu.memory_space<semaphore_mem>>) src(%dma_wait3A_146 : memref<128x128xf32, #tpu.memory_space<hbm>>) dst(%arg12 : memref<128x128xf32, #tpu.memory_space<vmem>>)
      %mul3A_147 = arith.constant 2 : i32
      %mul3A_148 = arith.muli %mul3A_147, %scan3A_55 : i32
      %add3A_149 = arith.constant 1 : i32
      %add3A_150 = arith.addi %mul3A_148, %add3A_149 : i32
      %mul3A_151 = arith.constant 128 : i32
      %mul3A_152 = arith.muli %add3A_150, %mul3A_151 : i32
      %add3A_153 = arith.addi %multiple_of3A, %mul3A_152 : i32
      %multiple_of3A_154 = tpu.assume_multiple %add3A_153, 8 : i32
      %dma_start3A_155 = arith.constant 0 : i32
      %dma_start3A_156 = tpu.memref_slice %arg6[%multiple_of3A_154, %dma_start3A_155] : memref<204800x128xf32, #tpu.memory_space<hbm>> -> memref<128x128xf32, #tpu.memory_space<hbm>>
      %dma_start3A_157 = arith.constant 0 : i32
      %dma_start3A_158 = tpu.memref_slice %arg6[%multiple_of3A_154, %dma_start3A_157] : memref<204800x128xf32, #tpu.memory_space<hbm>> -> memref<128x128xf32, #tpu.memory_space<hbm>>
      tpu.enqueue_dma source(%arg12 : memref<128x128xf32, #tpu.memory_space<vmem>>) target(%dma_start3A_158 : memref<128x128xf32, #tpu.memory_space<hbm>>) target_semaphore(%arg19 : memref<!tpu.dma_semaphore, #tpu.memory_space<semaphore_mem>>)
      %scan3A_159 = arith.constant 0 : i32
      %scan3A_160 = arith.constant 128 : i32
      %scan3A_161 = arith.addi %scan3A_159, %scan3A_160 : i32
      %scan3A_162 = arith.constant 1 : i32
      %scan3A_163:24 = scf.for %scan3A_165 = %scan3A_159 to %scan3A_161 step %scan3A_162 iter_args(%scan3A_166 = %scan3A_123#0, %scan3A_167 = %scan3A_123#1, %scan3A_168 = %scan3A_123#2, %scan3A_169 = %scan3A_123#3, %scan3A_170 = %scan3A_123#4, %scan3A_171 = %scan3A_123#5, %scan3A_172 = %scan3A_123#6, %scan3A_173 = %scan3A_123#7, %scan3A_174 = %scan3A_123#8, %scan3A_175 = %scan3A_123#9, %scan3A_176 = %scan3A_123#10, %scan3A_177 = %scan3A_123#11, %scan3A_178 = %scan3A_123#12, %scan3A_179 = %scan3A_123#13, %scan3A_180 = %scan3A_123#14, %scan3A_181 = %scan3A_123#15, %scan3A_182 = %scan3A_123#16, %scan3A_183 = %scan3A_123#17, %scan3A_184 = %scan3A_123#18, %scan3A_185 = %scan3A_123#19, %scan3A_186 = %scan3A_123#20, %scan3A_187 = %scan3A_123#21, %scan3A_188 = %scan3A_123#22, %scan3A_189 = %scan3A_123#23) -> (vector<16xf32>, vector<16xf32>, vector<16xf32>, vector<16xf32>, vector<16xf32>, vector<16xf32>, vector<16xf32>, vector<16xf32>, vector<16xf32>, vector<16xf32>, vector<16xf32>, vector<16xf32>, vector<16xf32>, vector<16xf32>, vector<16xf32>, vector<16xf32>, vector<16xf32>, vector<16xf32>, vector<16xf32>, vector<16xf32>, vector<16xf32>, vector<16xf32>, vector<16xf32>, vector<16xf32>)  : i32 {
        %get3A = arith.index_cast %scan3A_165 : i32 to index
        %get3A_190 = arith.constant 0 : index
        %get3A_191 = tpu.vector_load %arg10[%get3A, %get3A_190] {strides = array<i32>} : memref<128x128xf32, #tpu.memory_space<vmem>>, vector<1x16xf32>,
        %get3A_192 = vector.shape_cast %get3A_191 : vector<1x16xf32> to vector<16xf32>
        %get3A_193 = arith.index_cast %scan3A_165 : i32 to index
        %get3A_194 = arith.constant 0 : index
        %get3A_195 = tpu.vector_load %arg12[%get3A_193, %get3A_194] {strides = array<i32>} : memref<128x128xf32, #tpu.memory_space<vmem>>, vector<1x16xf32>,
        %get3A_196 = vector.shape_cast %get3A_195 : vector<1x16xf32> to vector<16xf32>
        %mul3A_197 = arith.mulf %get3A_192, %get3A_196 : vector<16xf32>
        %add3A_198 = arith.addf %scan3A_166, %mul3A_197 : vector<16xf32>
        %mul3A_199 = arith.mulf %get3A_192, %get3A_192 : vector<16xf32>
        %add3A_200 = arith.addf %scan3A_174, %mul3A_199 : vector<16xf32>
        %mul3A_201 = arith.mulf %get3A_196, %get3A_196 : vector<16xf32>
        %add3A_202 = arith.addf %scan3A_182, %mul3A_201 : vector<16xf32>
        %get3A_203 = arith.index_cast %scan3A_165 : i32 to index
        %get3A_204 = arith.constant 16 : index
        %get3A_205 = tpu.vector_load %arg10[%get3A_203, %get3A_204] {strides = array<i32>} : memref<128x128xf32, #tpu.memory_space<vmem>>, vector<1x16xf32>,
        %get3A_206 = vector.shape_cast %get3A_205 : vector<1x16xf32> to vector<16xf32>
        %get3A_207 = arith.index_cast %scan3A_165 : i32 to index
        %get3A_208 = arith.constant 16 : index
        %get3A_209 = tpu.vector_load %arg12[%get3A_207, %get3A_208] {strides = array<i32>} : memref<128x128xf32, #tpu.memory_space<vmem>>, vector<1x16xf32>,
        %get3A_210 = vector.shape_cast %get3A_209 : vector<1x16xf32> to vector<16xf32>
        %mul3A_211 = arith.mulf %get3A_206, %get3A_210 : vector<16xf32>
        %add3A_212 = arith.addf %scan3A_167, %mul3A_211 : vector<16xf32>
        %mul3A_213 = arith.mulf %get3A_206, %get3A_206 : vector<16xf32>
        %add3A_214 = arith.addf %scan3A_175, %mul3A_213 : vector<16xf32>
        %mul3A_215 = arith.mulf %get3A_210, %get3A_210 : vector<16xf32>
        %add3A_216 = arith.addf %scan3A_183, %mul3A_215 : vector<16xf32>
        %get3A_217 = arith.index_cast %scan3A_165 : i32 to index
        %get3A_218 = arith.constant 32 : index
        %get3A_219 = tpu.vector_load %arg10[%get3A_217, %get3A_218] {strides = array<i32>} : memref<128x128xf32, #tpu.memory_space<vmem>>, vector<1x16xf32>,
        %get3A_220 = vector.shape_cast %get3A_219 : vector<1x16xf32> to vector<16xf32>
        %get3A_221 = arith.index_cast %scan3A_165 : i32 to index
        %get3A_222 = arith.constant 32 : index
        %get3A_223 = tpu.vector_load %arg12[%get3A_221, %get3A_222] {strides = array<i32>} : memref<128x128xf32, #tpu.memory_space<vmem>>, vector<1x16xf32>,
        %get3A_224 = vector.shape_cast %get3A_223 : vector<1x16xf32> to vector<16xf32>
        %mul3A_225 = arith.mulf %get3A_220, %get3A_224 : vector<16xf32>
        %add3A_226 = arith.addf %scan3A_168, %mul3A_225 : vector<16xf32>
        %mul3A_227 = arith.mulf %get3A_220, %get3A_220 : vector<16xf32>
        %add3A_228 = arith.addf %scan3A_176, %mul3A_227 : vector<16xf32>
        %mul3A_229 = arith.mulf %get3A_224, %get3A_224 : vector<16xf32>
        %add3A_230 = arith.addf %scan3A_184, %mul3A_229 : vector<16xf32>
        %get3A_231 = arith.index_cast %scan3A_165 : i32 to index
        %get3A_232 = arith.constant 48 : index
        %get3A_233 = tpu.vector_load %arg10[%get3A_231, %get3A_232] {strides = array<i32>} : memref<128x128xf32, #tpu.memory_space<vmem>>, vector<1x16xf32>,
        %get3A_234 = vector.shape_cast %get3A_233 : vector<1x16xf32> to vector<16xf32>
        %get3A_235 = arith.index_cast %scan3A_165 : i32 to index
        %get3A_236 = arith.constant 48 : index
        %get3A_237 = tpu.vector_load %arg12[%get3A_235, %get3A_236] {strides = array<i32>} : memref<128x128xf32, #tpu.memory_space<vmem>>, vector<1x16xf32>,
        %get3A_238 = vector.shape_cast %get3A_237 : vector<1x16xf32> to vector<16xf32>
        %mul3A_239 = arith.mulf %get3A_234, %get3A_238 : vector<16xf32>
        %add3A_240 = arith.addf %scan3A_169, %mul3A_239 : vector<16xf32>
        %mul3A_241 = arith.mulf %get3A_234, %get3A_234 : vector<16xf32>
        %add3A_242 = arith.addf %scan3A_177, %mul3A_241 : vector<16xf32>
        %mul3A_243 = arith.mulf %get3A_238, %get3A_238 : vector<16xf32>
        %add3A_244 = arith.addf %scan3A_185, %mul3A_243 : vector<16xf32>
        %get3A_245 = arith.index_cast %scan3A_165 : i32 to index
        %get3A_246 = arith.constant 64 : index
        %get3A_247 = tpu.vector_load %arg10[%get3A_245, %get3A_246] {strides = array<i32>} : memref<128x128xf32, #tpu.memory_space<vmem>>, vector<1x16xf32>,
        %get3A_248 = vector.shape_cast %get3A_247 : vector<1x16xf32> to vector<16xf32>
        %get3A_249 = arith.index_cast %scan3A_165 : i32 to index
        %get3A_250 = arith.constant 64 : index
        %get3A_251 = tpu.vector_load %arg12[%get3A_249, %get3A_250] {strides = array<i32>} : memref<128x128xf32, #tpu.memory_space<vmem>>, vector<1x16xf32>,
        %get3A_252 = vector.shape_cast %get3A_251 : vector<1x16xf32> to vector<16xf32>
        %mul3A_253 = arith.mulf %get3A_248, %get3A_252 : vector<16xf32>
        %add3A_254 = arith.addf %scan3A_170, %mul3A_253 : vector<16xf32>
        %mul3A_255 = arith.mulf %get3A_248, %get3A_248 : vector<16xf32>
        %add3A_256 = arith.addf %scan3A_178, %mul3A_255 : vector<16xf32>
        %mul3A_257 = arith.mulf %get3A_252, %get3A_252 : vector<16xf32>
        %add3A_258 = arith.addf %scan3A_186, %mul3A_257 : vector<16xf32>
        %get3A_259 = arith.index_cast %scan3A_165 : i32 to index
        %get3A_260 = arith.constant 80 : index
        %get3A_261 = tpu.vector_load %arg10[%get3A_259, %get3A_260] {strides = array<i32>} : memref<128x128xf32, #tpu.memory_space<vmem>>, vector<1x16xf32>,
        %get3A_262 = vector.shape_cast %get3A_261 : vector<1x16xf32> to vector<16xf32>
        %get3A_263 = arith.index_cast %scan3A_165 : i32 to index
        %get3A_264 = arith.constant 80 : index
        %get3A_265 = tpu.vector_load %arg12[%get3A_263, %get3A_264] {strides = array<i32>} : memref<128x128xf32, #tpu.memory_space<vmem>>, vector<1x16xf32>,
        %get3A_266 = vector.shape_cast %get3A_265 : vector<1x16xf32> to vector<16xf32>
        %mul3A_267 = arith.mulf %get3A_262, %get3A_266 : vector<16xf32>
        %add3A_268 = arith.addf %scan3A_171, %mul3A_267 : vector<16xf32>
        %mul3A_269 = arith.mulf %get3A_262, %get3A_262 : vector<16xf32>
        %add3A_270 = arith.addf %scan3A_179, %mul3A_269 : vector<16xf32>
        %mul3A_271 = arith.mulf %get3A_266, %get3A_266 : vector<16xf32>
        %add3A_272 = arith.addf %scan3A_187, %mul3A_271 : vector<16xf32>
        %get3A_273 = arith.index_cast %scan3A_165 : i32 to index
        %get3A_274 = arith.constant 96 : index
        %get3A_275 = tpu.vector_load %arg10[%get3A_273, %get3A_274] {strides = array<i32>} : memref<128x128xf32, #tpu.memory_space<vmem>>, vector<1x16xf32>,
        %get3A_276 = vector.shape_cast %get3A_275 : vector<1x16xf32> to vector<16xf32>
        %get3A_277 = arith.index_cast %scan3A_165 : i32 to index
        %get3A_278 = arith.constant 96 : index
        %get3A_279 = tpu.vector_load %arg12[%get3A_277, %get3A_278] {strides = array<i32>} : memref<128x128xf32, #tpu.memory_space<vmem>>, vector<1x16xf32>,
        %get3A_280 = vector.shape_cast %get3A_279 : vector<1x16xf32> to vector<16xf32>
        %mul3A_281 = arith.mulf %get3A_276, %get3A_280 : vector<16xf32>
        %add3A_282 = arith.addf %scan3A_172, %mul3A_281 : vector<16xf32>
        %mul3A_283 = arith.mulf %get3A_276, %get3A_276 : vector<16xf32>
        %add3A_284 = arith.addf %scan3A_180, %mul3A_283 : vector<16xf32>
        %mul3A_285 = arith.mulf %get3A_280, %get3A_280 : vector<16xf32>
        %add3A_286 = arith.addf %scan3A_188, %mul3A_285 : vector<16xf32>
        %get3A_287 = arith.index_cast %scan3A_165 : i32 to index
        %get3A_288 = arith.constant 112 : index
        %get3A_289 = tpu.vector_load %arg10[%get3A_287, %get3A_288] {strides = array<i32>} : memref<128x128xf32, #tpu.memory_space<vmem>>, vector<1x16xf32>,
        %get3A_290 = vector.shape_cast %get3A_289 : vector<1x16xf32> to vector<16xf32>
        %get3A_291 = arith.index_cast %scan3A_165 : i32 to index
        %get3A_292 = arith.constant 112 : index
        %get3A_293 = tpu.vector_load %arg12[%get3A_291, %get3A_292] {strides = array<i32>} : memref<128x128xf32, #tpu.memory_space<vmem>>, vector<1x16xf32>,
        %get3A_294 = vector.shape_cast %get3A_293 : vector<1x16xf32> to vector<16xf32>
        %mul3A_295 = arith.mulf %get3A_290, %get3A_294 : vector<16xf32>
        %add3A_296 = arith.addf %scan3A_173, %mul3A_295 : vector<16xf32>
        %mul3A_297 = arith.mulf %get3A_290, %get3A_290 : vector<16xf32>
        %add3A_298 = arith.addf %scan3A_181, %mul3A_297 : vector<16xf32>
        %mul3A_299 = arith.mulf %get3A_294, %get3A_294 : vector<16xf32>
        %add3A_300 = arith.addf %scan3A_189, %mul3A_299 : vector<16xf32>
        scf.yield %add3A_198, %add3A_212, %add3A_226, %add3A_240, %add3A_254, %add3A_268, %add3A_282, %add3A_296, %add3A_200, %add3A_214, %add3A_228, %add3A_242, %add3A_256, %add3A_270, %add3A_284, %add3A_298, %add3A_202, %add3A_216, %add3A_230, %add3A_244, %add3A_258, %add3A_272, %add3A_286, %add3A_300 : vector<16xf32>, vector<16xf32>, vector<16xf32>, vector<16xf32>, vector<16xf32>, vector<16xf32>, vector<16xf32>, vector<16xf32>, vector<16xf32>, vector<16xf32>, vector<16xf32>, vector<16xf32>, vector<16xf32>, vector<16xf32>, vector<16xf32>, vector<16xf32>, vector<16xf32>, vector<16xf32>, vector<16xf32>, vector<16xf32>, vector<16xf32>, vector<16xf32>, vector<16xf32>, vector<16xf32>
      }
      %scan3A_164 = arith.constant 128 : i32
      scf.yield %scan3A_163#0, %scan3A_163#1, %scan3A_163#2, %scan3A_163#3, %scan3A_163#4, %scan3A_163#5, %scan3A_163#6, %scan3A_163#7, %scan3A_163#8, %scan3A_163#9, %scan3A_163#10, %scan3A_163#11, %scan3A_163#12, %scan3A_163#13, %scan3A_163#14, %scan3A_163#15, %scan3A_163#16, %scan3A_163#17, %scan3A_163#18, %scan3A_163#19, %scan3A_163#20, %scan3A_163#21, %scan3A_163#22, %scan3A_163#23 : vector<16xf32>, vector<16xf32>, vector<16xf32>, vector<16xf32>, vector<16xf32>, vector<16xf32>, vector<16xf32>, vector<16xf32>, vector<16xf32>, vector<16xf32>, vector<16xf32>, vector<16xf32>, vector<16xf32>, vector<16xf32>, vector<16xf32>, vector<16xf32>, vector<16xf32>, vector<16xf32>, vector<16xf32>, vector<16xf32>, vector<16xf32>, vector<16xf32>, vector<16xf32>, vector<16xf32>
    }
    %scan3A_17 = arith.constant 25 : i32
    %dma_wait3A = arith.constant 0 : i32
    %dma_wait3A_18 = arith.constant 0 : i32
    %dma_wait3A_19 = tpu.memref_slice %arg6[%dma_wait3A, %dma_wait3A_18] : memref<204800x128xf32, #tpu.memory_space<hbm>> -> memref<128x128xf32, #tpu.memory_space<hbm>>
    %dma_wait3A_20 = arith.constant 0 : i32
    %dma_wait3A_21 = arith.constant 0 : i32
    %dma_wait3A_22 = tpu.memref_slice %arg6[%dma_wait3A_20, %dma_wait3A_21] : memref<204800x128xf32, #tpu.memory_space<hbm>> -> memref<128x128xf32, #tpu.memory_space<hbm>>
    tpu.wait_dma2 semaphore(%arg19 : memref<!tpu.dma_semaphore, #tpu.memory_space<semaphore_mem>>) src(%arg12 : memref<128x128xf32, #tpu.memory_space<vmem>>) dst(%dma_wait3A_22 : memref<128x128xf32, #tpu.memory_space<hbm>>)
    %add3A_23 = arith.addf %scan3A_16#0, %scan3A_16#1 : vector<16xf32>
    %add3A_24 = arith.addf %scan3A_16#2, %scan3A_16#3 : vector<16xf32>
    %add3A_25 = arith.addf %scan3A_16#4, %scan3A_16#5 : vector<16xf32>
    %add3A_26 = arith.addf %scan3A_16#6, %scan3A_16#7 : vector<16xf32>
    %add3A_27 = arith.addf %add3A_23, %add3A_24 : vector<16xf32>
    %add3A_28 = arith.addf %add3A_25, %add3A_26 : vector<16xf32>
    %add3A_29 = arith.addf %add3A_27, %add3A_28 : vector<16xf32>
    %swap3A = arith.constant 0 : index
    %swap3A_30 = tpu.vector_load %arg13[%swap3A] {strides = array<i32>} : memref<48xf32, #tpu.memory_space<vmem>>, vector<16xf32>,
    %swap3A_31 = vector.shape_cast %swap3A_30 : vector<16xf32> to vector<16xf32>
    %swap3A_32 = vector.shape_cast %add3A_29 : vector<16xf32> to vector<16xf32>
    tpu.vector_store %arg13[%swap3A], %swap3A_32 {strides = array<i32>} : memref<48xf32, #tpu.memory_space<vmem>>, vector<16xf32>,
    %add3A_33 = arith.addf %scan3A_16#8, %scan3A_16#9 : vector<16xf32>
    %add3A_34 = arith.addf %scan3A_16#10, %scan3A_16#11 : vector<16xf32>
    %add3A_35 = arith.addf %scan3A_16#12, %scan3A_16#13 : vector<16xf32>
    %add3A_36 = arith.addf %scan3A_16#14, %scan3A_16#15 : vector<16xf32>
    %add3A_37 = arith.addf %add3A_33, %add3A_34 : vector<16xf32>
    %add3A_38 = arith.addf %add3A_35, %add3A_36 : vector<16xf32>
    %add3A_39 = arith.addf %add3A_37, %add3A_38 : vector<16xf32>
    %swap3A_40 = arith.constant 16 : index
    %swap3A_41 = tpu.vector_load %arg13[%swap3A_40] {strides = array<i32>} : memref<48xf32, #tpu.memory_space<vmem>>, vector<16xf32>,
    %swap3A_42 = vector.shape_cast %swap3A_41 : vector<16xf32> to vector<16xf32>
    %swap3A_43 = vector.shape_cast %add3A_39 : vector<16xf32> to vector<16xf32>
    tpu.vector_store %arg13[%swap3A_40], %swap3A_43 {strides = array<i32>} : memref<48xf32, #tpu.memory_space<vmem>>, vector<16xf32>,
    %add3A_44 = arith.addf %scan3A_16#16, %scan3A_16#17 : vector<16xf32>
    %add3A_45 = arith.addf %scan3A_16#18, %scan3A_16#19 : vector<16xf32>
    %add3A_46 = arith.addf %scan3A_16#20, %scan3A_16#21 : vector<16xf32>
    %add3A_47 = arith.addf %scan3A_16#22, %scan3A_16#23 : vector<16xf32>
    %add3A_48 = arith.addf %add3A_44, %add3A_45 : vector<16xf32>
    %add3A_49 = arith.addf %add3A_46, %add3A_47 : vector<16xf32>
    %add3A_50 = arith.addf %add3A_48, %add3A_49 : vector<16xf32>
    %swap3A_51 = arith.constant 32 : index
    %swap3A_52 = tpu.vector_load %arg13[%swap3A_51] {strides = array<i32>} : memref<48xf32, #tpu.memory_space<vmem>>, vector<16xf32>,
    %swap3A_53 = vector.shape_cast %swap3A_52 : vector<16xf32> to vector<16xf32>
    %swap3A_54 = vector.shape_cast %add3A_50 : vector<16xf32> to vector<16xf32>
    tpu.vector_store %arg13[%swap3A_51], %swap3A_54 {strides = array<i32>} : memref<48xf32, #tpu.memory_space<vmem>>, vector<16xf32>,
    "tpu.region"() ({
      %run_scoped3A = tpu.sem_alloc : memref<!tpu.dma_semaphore, #tpu.memory_space<semaphore_mem>>
      %dma_start3A_55 = arith.constant 0 : i32
      %dma_start3A_56 = tpu.memref_slice %arg5[%add3A, %dma_start3A_55] : memref<32x48xf32, #tpu.memory_space<hbm>> -> memref<1x48xf32, #tpu.memory_space<hbm>>
      %dma_start3A_57 = tpu.memref_squeeze %dma_start3A_56 : memref<1x48xf32, #tpu.memory_space<hbm>> -> memref<48xf32, #tpu.memory_space<hbm>>
      %dma_start3A_58 = arith.constant 0 : i32
      %dma_start3A_59 = tpu.memref_slice %arg5[%add3A, %dma_start3A_58] : memref<32x48xf32, #tpu.memory_space<hbm>> -> memref<1x48xf32, #tpu.memory_space<hbm>>
      %dma_start3A_60 = tpu.memref_squeeze %dma_start3A_59 : memref<1x48xf32, #tpu.memory_space<hbm>> -> memref<48xf32, #tpu.memory_space<hbm>>
      tpu.enqueue_dma source(%arg13 : memref<48xf32, #tpu.memory_space<vmem>>) target(%dma_start3A_60 : memref<48xf32, #tpu.memory_space<hbm>>) target_semaphore(%run_scoped3A : memref<!tpu.dma_semaphore, #tpu.memory_space<semaphore_mem>>)
      %dma_wait3A_61 = arith.constant 0 : i32
      %dma_wait3A_62 = tpu.memref_slice %arg5[%add3A, %dma_wait3A_61] : memref<32x48xf32, #tpu.memory_space<hbm>> -> memref<1x48xf32, #tpu.memory_space<hbm>>
      %dma_wait3A_63 = tpu.memref_squeeze %dma_wait3A_62 : memref<1x48xf32, #tpu.memory_space<hbm>> -> memref<48xf32, #tpu.memory_space<hbm>>
      %dma_wait3A_64 = arith.constant 0 : i32
      %dma_wait3A_65 = tpu.memref_slice %arg5[%add3A, %dma_wait3A_64] : memref<32x48xf32, #tpu.memory_space<hbm>> -> memref<1x48xf32, #tpu.memory_space<hbm>>
      %dma_wait3A_66 = tpu.memref_squeeze %dma_wait3A_65 : memref<1x48xf32, #tpu.memory_space<hbm>> -> memref<48xf32, #tpu.memory_space<hbm>>
      tpu.wait_dma2 semaphore(%run_scoped3A : memref<!tpu.dma_semaphore, #tpu.memory_space<semaphore_mem>>) src(%arg13 : memref<48xf32, #tpu.memory_space<vmem>>) dst(%dma_wait3A_66 : memref<48xf32, #tpu.memory_space<hbm>>)
      tpu.yield
    }) : () -> ()
    return
  }
}

module attributes {stable_mosaic.version = 14 : i64} {
  func.func @scale_fn(%arg0: i32, %arg1: memref<1xf32, #tpu.memory_space<smem>>, %arg2: memref<50x256x128xf32, #tpu.memory_space<vmem>>, %arg3: memref<50x256x128xf32, #tpu.memory_space<vmem>>) attributes {dimension_semantics = [#tpu.dimension_semantics<arbitrary>], iteration_bounds = array<i64: 16>, scalar_prefetch = 0 : i64, scratch_operands = 0 : i64, tpu.core_type = #tpu.core_type<tc>, window_params = [{transform_indices = @transform_0, window_bounds = array<i64: 1>}, {transform_indices = @transform_1, window_bounds = array<i64: 50, 256, 128>}, {transform_indices = @transform_2, window_bounds = array<i64: 50, 256, 128>}]} {
    %get3A = arith.constant 0 : index
    %get3A_0 = arith.constant 0 : index
    %get3A_1 = arith.constant 0 : index
    %get3A_2 = vector.load %arg2[%get3A, %get3A_0, %get3A_1] : memref<50x256x128xf32, #tpu.memory_space<vmem>>, vector<50x256x128xf32>
    %get3A_3 = arith.constant 0 : index
    %get3A_4 = memref.load %arg1[%get3A_3] : memref<1xf32, #tpu.memory_space<smem>>
    %mul3A = vector.broadcast %get3A_4 : f32 to vector<50x256x128xf32>
    %mul3A_5 = arith.mulf %get3A_2, %mul3A : vector<50x256x128xf32>
    %swap3A = arith.constant 0 : index
    %swap3A_6 = arith.constant 0 : index
    %swap3A_7 = arith.constant 0 : index
    %swap3A_8 = vector.load %arg3[%swap3A, %swap3A_6, %swap3A_7] : memref<50x256x128xf32, #tpu.memory_space<vmem>>, vector<50x256x128xf32>
    tpu.vector_store %arg3[%swap3A, %swap3A_6, %swap3A_7], %mul3A_5 {strides = array<i32>} : memref<50x256x128xf32, #tpu.memory_space<vmem>>, vector<50x256x128xf32>,
    return
  }
  func.func @transform_0(%arg0: i32) -> i32 {
    %c0_i32 = arith.constant 0 : i32
    %c0_i32_0 = arith.constant 0 : i32
    return %c0_i32 : i32
  }
  func.func @transform_1(%arg0: i32) -> (i32, i32, i32) {
    %c0_i32 = arith.constant 0 : i32
    %c0_i32_0 = arith.constant 0 : i32
    %c0_i32_1 = arith.constant 0 : i32
    return %c0_i32, %arg0, %c0_i32_0 : i32, i32, i32
  }
  func.func @transform_2(%arg0: i32) -> (i32, i32, i32) {
    %c0_i32 = arith.constant 0 : i32
    %c0_i32_0 = arith.constant 0 : i32
    %c0_i32_1 = arith.constant 0 : i32
    return %c0_i32, %arg0, %c0_i32_0 : i32, i32, i32
  }
}

</mosaic_0001>

<sc_bundles>
// kernel: kernel.4.cloned.1.call-start
scs
__scs_entry_jumppad:
0x0: {  	(pc) =	sbr.rel $0x88, $3  }
0x1: {  	(tag) =	ssettag $0x0;
	lr =	simm.s32 $0x1  }
0x2: {  	[smem:$0x3F9E] =	sst lr;
	_ =	strace $0xD0000000  }
0x3: {  	_ = 	snop  }
0x4: {  	_ = 	snop  }
0x5: {  	_ = 	snop  }
0x6: {  	_ = 	snop  }
0x7: {  	_ = 	snop  }
__scs_overlays_trampoline_lowered:
0x8: {  	[smem:$0x3FAD] =	sst s0  }
0x9: {  	[smem:$0x3FAE] =	sst s1  }
0xa: {  	[smem:$0x3FAF] =	sst s2  }
0xb: {  	[smem:$0x3FB0] =	sst s3  }
0xc: {  	[smem:$0x3FB1] =	sst s4  }
0xd: {  	[smem:$0x3FB2] =	sst s5  }
0xe: {  	[smem:$0x3FB3] =	sst s6  }
0xf: {  	[smem:$0x3FB4] =	sst s7  }
0x10: {  	[smem:$0x3FB5] =	sst s8  }
0x11: {  	[smem:$0x3FB6] =	sst s9;
	s0 =	simm.s32 @!p0 $0x0  }
0x12: {  	s1 =	sld [smem:$0x3F9C];
	s0 =	simm.s32 @p0 $0x1  }
0x13: {  	[smem:$0x3FB7] =	sst s0;
	s0 =	simm.s32 @!p1 $0x0  }
0x14: {  	s2 =	sld [smem:$0x3F9B];
	s0 =	simm.s32 @p1 $0x1  }
0x15: {  	[smem:$0x3FB8] =	sst s0;
	s0 =	simm.s32 @!p2 $0x0  }
0x16: {  	s3 =	sld [smem:$0x3FDB];
	s0 =	simm.s32 @p2 $0x1  }
0x17: {  	s4 =	simm.s32 $0x1BF5;
	[smem:$0x3FBA] =	sst s0  }
0x18: {  	s0 =	sld [smem:$0x3F9D];
	_ =	swait.ge [sflag:s4], $0x0  }
0x19: {  	s7 =	sld [smem:$0x3F9E]  }
0x1a: {  	s8 =	sadd.s32 $0xFFFFE003, lr  }
0x1b: {  	s9 =	sadd.s32 $0xFFFFFEF7, lr;
	s5 =	simm.s32 $0xFFFFFFFF;
	p2 =	slt.u32 s8, $0xFFFFF086  }
0x1c: {  	p1 =	slt.u32 s9, $0xF7A;
	s5 =	simm.s32 @!p2 $0x0  }
0x1d: {  	s5 =	simm.s32 @p1 $0x1;
	p0 =	seq.s32 s7, s2  }
0x1e: {  	s7 =	smul.u32 @!p0 $0xF7A, s2;
	p2 =	seq.s32 @!p0 s5, $0x0  }
0x1f: {  	s9 =	smul.u32 $0xF7A, s1;
	s8 =	simm.s32 @!p0 $0x1BF5;
	p2 =	por !p2, p0  }
0x20: {  	[sflag:s8] =	ssyncset.s32 @!p0 $0xFFFFF086;
	s6 =	sadd.s32 @!p0 s3, s7;
	s7 =	simm.s32 @!p0 $0x108  }
0x21: {  	s3 =	sadd.s32 s3, s9;
	s6 =	sadd.s32 @!p0 $0x88, s6;
	s7 =	simm.s32 @p2 $0x1082  }
0x22: {  	[simem:s7], [sflag:s8] =	dma.local @!p0 [hbm:s6], $0xF7A  }
0x23: {  	s9 =	sor.u32 $0xD0000000, s2;
	s6 =	simm.s32 $0x108;
	_ =	swait.ge @!p0 [sflag:s8], $0x0  }
0x24: {  	s3 =	sadd.s32 $0x88, s3;
	s6 =	simm.s32 @!p1 $0x1082;
	[sflag:s4] =	ssyncset.s32 $0xFFFFF086  }
0x25: {  	[simem:s6], [sflag:s4] =	dma.local [hbm:s3], $0xF7A  }
0x26: {  	[smem:$0x3F9E] =	sst s1;
	(tag) =	ssettag s2;
	_ =	strace s9  }
0x27: {  	s1 =	sld [smem:$0x3FAE]  }
0x28: {  	s2 =	sld [smem:$0x3FAF]  }
0x29: {  	s4 =	sld [smem:$0x3FB1]  }
0x2a: {  	p0 =	seq.s32 s5, $0x0;
	s5 =	sld [smem:$0x3FB2]  }
0x2b: {  	s6 =	sld [smem:$0x3FB3]  }
0x2c: {  	s7 =	sld [smem:$0x3FB4]  }
0x2d: {  	s3 =	simm.s32 $0x108;
	s8 =	sld [smem:$0x3FB5]  }
0x2e: {  	s3 =	simm.s32 @!p0 $0x1082;
	s9 =	sld [smem:$0x3FB6]  }
0x2f: {  	lr =	sadd.s32 s0, s3;
	s0 =	sld [smem:$0x3FAD]  }
0x30: {  	s3 =	sld [smem:$0x3FB0]  }
0x31: {  	[smem:$0x3FB9] =	sst s10  }
0x32: {  	s10 =	sld [smem:$0x3FB7];
	_ =	sdelay $0x3  }
0x33: {  	p0 =	seq.s32 s10, $0x1;
	s10 =	sld [smem:$0x3FB9];
	_ =	sdelay $0x3  }
0x34: {  	[smem:$0x3FB9] =	sst s10  }
0x35: {  	s10 =	sld [smem:$0x3FB8];
	_ =	sdelay $0x3  }
0x36: {  	p1 =	seq.s32 s10, $0x1;
	s10 =	sld [smem:$0x3FB9];
	_ =	sdelay $0x3  }
0x37: {  	[smem:$0x3FB9] =	sst s10  }
0x38: {  	s10 =	sld [smem:$0x3FBA]  }
0x39: {  	_ = 	snop;
	(pc) =	sbr.ind lr, $3  }
0x3a: {  	_ = 	snop  }
0x3b: {  	_ = 	snop  }
0x3c: {  	p2 =	seq.s32 s10, $0x1;
	s10 =	sld [smem:$0x3FB9]  }
0x3d: {  	_ =	shalt  }
0x3e: {  	_ =	shalt  }
0x3f: {  	_ =	shalt  }
0x40: {  	_ =	shalt  }
0x41: {  	_ =	shalt  }
0x42: {  	_ =	shalt  }
0x43: {  	_ =	shalt  }
0x44: {  	_ =	shalt  }
0x45: {  	_ =	shalt  }
0x46: {  	_ =	shalt  }
0x47: {  	_ =	shalt  }
0x48: {  	_ =	shalt  }
0x49: {  	_ =	shalt  }
0x4a: {  	_ =	shalt  }
0x4b: {  	_ =	shalt  }
0x4c: {  	_ =	shalt  }
0x4d: {  	_ =	shalt  }
0x4e: {  	_ =	shalt  }
0x4f: {  	_ =	shalt  }
0x50: {  	_ =	shalt  }
0x51: {  	_ =	shalt  }
0x52: {  	_ =	shalt  }
0x53: {  	_ =	shalt  }
0x54: {  	_ =	shalt  }
0x55: {  	_ =	shalt  }
0x56: {  	_ =	shalt  }
0x57: {  	_ =	shalt  }
0x58: {  	_ =	shalt  }
0x59: {  	_ =	shalt  }
0x5a: {  	_ =	shalt  }
0x5b: {  	_ =	shalt  }
0x5c: {  	_ =	shalt  }
0x5d: {  	_ =	shalt  }
0x5e: {  	_ =	shalt  }
0x5f: {  	_ =	shalt  }
0x60: {  	_ =	shalt  }
0x61: {  	_ =	shalt  }
0x62: {  	_ =	shalt  }
0x63: {  	_ =	shalt  }
0x64: {  	_ =	shalt  }
0x65: {  	_ =	shalt  }
0x66: {  	_ =	shalt  }
0x67: {  	_ =	shalt  }
0x68: {  	_ =	shalt  }
0x69: {  	_ =	shalt  }
0x6a: {  	_ =	shalt  }
0x6b: {  	_ =	shalt  }
0x6c: {  	_ =	shalt  }
0x6d: {  	_ =	shalt  }
0x6e: {  	_ =	shalt  }
0x6f: {  	_ =	shalt  }
0x70: {  	_ =	shalt  }
0x71: {  	_ =	shalt  }
0x72: {  	_ =	shalt  }
0x73: {  	_ =	shalt  }
0x74: {  	_ =	shalt  }
0x75: {  	_ =	shalt  }
0x76: {  	_ =	shalt  }
0x77: {  	_ =	shalt  }
0x78: {  	_ =	shalt  }
0x79: {  	_ =	shalt  }
0x7a: {  	_ =	shalt  }
0x7b: {  	_ =	shalt  }
0x7c: {  	_ =	shalt  }
0x7d: {  	_ =	shalt  }
0x7e: {  	_ =	shalt  }
0x7f: {  	_ =	shalt  }
0x80: {  	_ =	shalt  }
0x81: {  	_ =	shalt  }
0x82: {  	_ =	shalt  }
0x83: {  	_ =	shalt  }
0x84: {  	_ =	shalt  }
0x85: {  	_ =	shalt  }
0x86: {  	_ =	shalt  }
0x87: {  	_ =	shalt  }
.Lfunc_end0:
.L_simem_size_0:
called_computation_lowered:
.L_overlay_start_0:
0x88: {  	s2 =	sld [smem:$0x3FD9]  }
0x89: {  	s3 =	sld [smem:$0x3FFE];
	_ =	sdelay $0x1  }
0x8a: {  	s1 =	srdreg.scid  }
0x8b: {  	s0 =	sand.u32 $0x1, s1  }
0x8c: {  	s14 =	sshll.u32 s0, $0xA;
	s2 =	sadd.s32 s3, s2  }
0x8d: {  	s2 =	sadd.s32 s2, s14  }
0x8e: {  	[smem:$0x3FC5] =	sst s2  }
0x8f: {  	_ = 	snop  }
0x90: {  	s2 =	sld [smem:$0x3FD0];
	_ =	sdelay $0x2  }
0x91: {  	s4 =	simm.s32 $0xA;
	s5 =	simm.s32 $0x10;
	s15 =	sld [smem:$0x3FC9]  }
0x92: {  	[smem:s5], [sflag:s4] =	dma.local [hbm:s2], $0x1  }
0x93: {  	_ =	swait.eq [sflag:s4], $0x1  }
0x94: {  	[sflag:s4] =	ssyncset.done $0x0  }
0x95: {  	[sflag:s4] =	ssyncadd.s32 $0xFFFFFFFF  }
0x96: {  	s16 =	sld [smem:$0x10];
	(tm) =	ssettm $0x1  }
0x97: {  	s17 =	sld [smem:$0x3FFB];
	_ =	sdelay $0x3  }
0x98: {  	_ =	strace s17  }
0x99: {  	s4 =	sld [smem:$0x3FFC];
	_ =	sdelay $0x3  }
0x9a: {  	_ =	strace s4  }
0x9b: {  	s4 =	sld [smem:$0x3FFD];
	_ =	sdelay $0x3  }
0x9c: {  	_ =	strace s4  }
0x9d: {  	_ =	strace $0x8FFFFFFF  }
0x9e: {  	s18 =	sld [smem:$0x3FDB];
	_ =	sdelay $0x1  }
0x9f: {  	s19 =	simm.s32 $_scs_section_size  }
0xa0: {  	s6 =	simm.s32 $_size__tile_overlayer_lowered;
	s7 =	simm.s32 $_tile_overlayer_lowered  }
0xa1: {  	s22 =	simm.s32 $0x1BFF;
	s21 =	sshll.u32 s7, $0x1;
	s4 =	sadd.s32 s19, s18  }
0xa2: {  	s8 =	simm.s32 $0x0;
	s20 =	sshll.u32 s6, $0x1;
	s6 =	sadd.s32 s21, s4  }
0xa3: {  	[timem:s8], [sflag:s22] =	dma.local [hbm:s6], s20  }
0xa4: {  	_ =	swait.ge [sflag:s22], s20  }
0xa5: {  	s5 =	ssub.s32 $0x0, s20;
	[sflag:s22] =	ssyncset.done $0x0  }
0xa6: {  	[sflag:s22] =	ssyncadd.s32 s5;
	_ =	sdelay $0x1  }
0xa7: {  	s23 =	simm.s32 $0x1B8B  }
0xa8: {  	_ =	swait.ge [sflag:s23], $0x1  }
0xa9: {  	[sflag:s23] =	ssyncset.done $0x0  }
0xaa: {  	s25 =	simm.s32 $0x1B8E;
	s24 =	sld [smem:$0x3FFE];
	[sflag:s23] =	ssyncadd.s32 $0xFFFFFFFF  }
0xab: {  	s26 =	simm.s32 $execute0_lowered;
	[smem:$0x3FD2] =	sst s25  }
0xac: {  	s6 =	sshll.u32 s26, $0x1;
	_ =	strace $0x80000046;
	[dreg:$0x1] =	wrdreg $0xFFFFFFFF  }
0xad: {  	s28 =	simm.s32 $_size_execute0_lowered;
	s4 =	sadd.s32 s4, s6;
	[dreg:$0x0] =	wrdreg $0x0  }
0xae: {  	s6 =	sshll.u32 s28, $0x1;
	[dreg:$0x2] =	wrdreg s4  }
0xaf: {  	[dreg:$0x3] =	wrdreg s6  }
0xb0: {  	[dreg:$0x4] =	wrdreg $0xC0  }
0xb1: {  	_ =	task [dreg:s8], $0x5FFFF  }
0xb2: {  	[dreg:$0x1] =	wrdreg $0xFFFFFFFF  }
0xb3: {  	[dreg:$0x0] =	wrdreg $0x60  }
0xb4: {  	[dreg:$0x2] =	wrdreg s15  }
0xb5: {  	[dreg:$0x3] =	wrdreg s16  }
0xb6: {  	[dreg:$0x4] =	wrdreg s24  }
0xb7: {  	[dreg:$0x5] =	wrdreg $0x9  }
0xb8: {  	_ =	task.clear_ibuf [dreg:s8], $0x6FFFF;
	_ =	strace $0x90000046  }
0xb9: {  	s29 =	simm.s32 $0x9;
	_ =	strace $0x80000048  }
0xba: {  	_ =	swait.ge [sflag:s29], $0x1  }
0xbb: {  	[sflag:s29] =	ssyncadd.s32 $0xFFFFFFFF  }
0xbc: {  	_ =	strace $0x90000048  }
0xbd: {  	_ =	sfence  }
0xbe: {  	s30 =	sld [smem:$0x0];
	_ =	sdelay $0x2  }
0xbf: {  	s31 =	sshll.u32 s1, $0xD;
	s1 =	sshrl.u32 s1, $0x2  }
0xc0: {  	s3 =	sand.u32 $0x4000, s31;
	s1 =	sadd.s32 s1, s30  }
0xc1: {  	s0 =	sor.u32 s3, s0;
	s1 =	sshll.u32 s1, $0x11  }
0xc2: {  	s0 =	sor.u32 s1, s0  }
0xc3: {  	s0 =	sadd.s32 $0x8F2B, s0  }
0xc4: {  	[sflag:s0] =	ssyncadd.remote.s32 $0x1  }
0xc5: {  	_ =	sfence.sel $0xFFFF  }
0xc6: {  	[dreg:$0x0] =	wrdreg $0xFFFFFFFF;
	(pc) =	sbr.abs _section_cstart, $3  }
0xc7: {  	[dreg:$0x1] =	wrdreg $0xFFFFFFFF  }
0xc8: {  	_ =	task.clear_ibuf [dreg:s8], $0x2FFFF;
	_ =	strace $0x9FFFFFFF  }
0xc9: {  	(tm) =	ssettm $0x7FFFFFFF  }
tec
execute0_lowered:
.L_overlay_start_1:
0x0: {  	(tag) =	ssettag $0x1  }
0x1: {  	s1 =	rddreg [dreg:$0x0]  }
0x2: {  	s6 =	rddreg [dreg:$0x1];
	s2 =	srdreg.scid  }
0x3: {  	s0 =	stileid.u32;
	s7 =	rddreg [dreg:$0x2];
	s3 =	simm.s32 $0x0  }
0x4: {  	s13 =	simm.s32 $0x80;
	s14 =	simm.s32 $0x3200;
	s15 =	simm.s32 $0xB200  }
0x5: {  	s16 =	simm.s32 $0x7200;
	s17 =	simm.s32 $0xF200;
	s18 =	simm.s32 $0x1  }
0x6: {  	s19 =	simm.s32 $0x3;
	s20 =	simm.s32 $0x5;
	s21 =	simm.s32 $0x2  }
0x7: {  	s22 =	simm.s32 $0x4;
	s23 =	simm.s32 $0x6;
	s24 =	simm.s32 $0x13200  }
0x8: {  	s5 =	sand.u32 $0x1, s2;
	s4 =	sshll.u32 s0, $0x1;
	[smem:$0x7FF] =	sst s3  }
0x9: {  	s25 =	simm.s32 $0x0;
	s8 =	sor.u32 s5, s4;
	_ =	strace $0x80000047  }
0xa: {  	s10 =	ssub.s32 $0x2, s5;
	s5 =	sadd.s32 $0x6600, s7;
	s4 =	smul.u32 $0x1900, s8  }
0xb: {  	s9 =	sshll.u32 s8, $0x4;
	s11 =	sshrl.u32 s10, $0x1;
	s8 =	smul.u32 $0xC8000, s8  }
0xc: {  	s9 =	sadd.s32 s9, s7;
	s10 =	ssub.s32 s10, s11;
	s11 =	simm.s32 $0x7  }
0xd: {  	s12 =	sshrl.u32 s4, $0x3;
	s9 =	sadd.s32 $0x6400, s9;
	s10 =	smax.u32 s10, $0x1  }
0xe: {  	s6 =	sadd.s32 s6, s12;
	s7 =	sadd.s32 s7, s12;
	s12 =	simm.s32 $0x1900  }
.LBB2_1:
0xf: {  	[tilespmem:s3], [sflag:$0x7] =	stream.linear.gather [hbm4b:s6+s3], $0x1900, $0x38;
	[tilespmem:$0x13280] =	vst v63  }
0x10: {  	_ =	swait.ge [sflag:s11], $0x1900  }
0x11: {  	[sflag:s11] =	ssyncset.done $0x0  }
0x12: {  	v12 =	vimm.f32 $0.0e+00;
	v0 =	vimm.f32 $0.0e+00;
	v2 =	vimm.f32 $0.0e+00;
	[sflag:s11] =	ssyncadd.s32 $0xFFFFE700  }
0x13: {  	v3 =	vimm.f32 $0.0e+00;
	v4 =	vimm.f32 $0.0e+00;
	v13 =	vimm.f32 $0.0e+00;
	[tilespmem:s12], [sflag:$0x7] =	stream.linear.gather [hbm4b:s7+s3], $0x1900, $0x38;
	[tilespmem:$0x13280] =	vst v63  }
0x14: {  	v14 =	vimm.f32 $0.0e+00;
	v18 =	vimm.f32 $0.0e+00;
	v1 =	vimm.f32 $0.0e+00;
	_ =	swait.ge [sflag:s11], $0x1900  }
0x15: {  	v5 =	vimm.f32 $0.0e+00;
	v6 =	vimm.f32 $0.0e+00;
	v7 =	vimm.f32 $0.0e+00;
	[sflag:s11] =	ssyncset.done $0x0  }
0x16: {  	v15 =	vimm.f32 $0.0e+00;
	v25 =	vimm.f32 $0.0e+00;
	v26 =	vimm.f32 $0.0e+00;
	[sflag:s11] =	ssyncadd.s32 $0xFFFFE700  }
0x17: {  	v23 =	vimm.f32 $0.0e+00;
	v8 =	vimm.f32 $0.0e+00;
	v9 =	vimm.f32 $0.0e+00;
	[tilespmem:s14], [sflag:$0x1] =	stream.indirect.gather [hbm4b:s1+s13], $0x80, s3, s13, $0xb8;
	[tilespmem:$0x13280] =	vst v63  }
0x18: {  	v10 =	vimm.f32 $0.0e+00;
	v11 =	vimm.f32 $0.0e+00;
	v27 =	vimm.f32 $0.0e+00;
	s26 =	simm.s32 $0x0  }
0x19: {  	v28 =	vimm.f32 $0.0e+00;
	v29 =	vimm.f32 $0.0e+00;
	v17 =	vimm.f32 $0.0e+00;
	[tilespmem:s15], [sflag:$0x3] =	stream.indirect.gather [hbm4b:s1+s13], $0x80, s12, s13, $0xb8;
	[tilespmem:$0x13280] =	vst v63  }
.LBB2_2:
0x1a: {  	p0 =	seq.s32 s26, $0x0  }
0x1b: {  	s28 =	simm.s32 @!p0 $0x6  }
0x1c: {  	_ =	swait.ge @!p0 [sflag:s28], $0x4000  }
0x1d: {  	s29 =	sshll.u32 s26, $0x8;
	[sflag:s28] =	ssyncset.done @!p0 $0x0  }
0x1e: {  	[sflag:s28] =	ssyncadd.s32 @!p0 $0xFFFFC000;
	s28 =	sor.u32 $0x80, s29  }
0x1f: {  	[tilespmem:s16], [sflag:$0x2] =	stream.indirect.gather [hbm4b:s1+s13], $0x80, s28, s13, $0xb8;
	[tilespmem:$0x13280] =	vst v63  }
0x20: {  	s30 =	sadd.s32 $0x1980, s29  }
0x21: {  	[tilespmem:s17], [sflag:$0x4] =	stream.indirect.gather [hbm4b:s1+s13], $0x80, s30, s13, $0xb8;
	[tilespmem:$0x13280] =	vst v63  }
0x22: {  	_ =	swait.ge [sflag:s18], $0x4000  }
0x23: {  	[sflag:s18] =	ssyncset.done $0x0  }
0x24: {  	s30 =	sshll.u32 s26, $0xF;
	[sflag:s18] =	ssyncadd.s32 $0xFFFFC000  }
0x25: {  	s30 =	sadd.s32 s8, s30;
	_ =	swait.ge [sflag:s19], $0x4000  }
0x26: {  	s31 =	simm.s32 $0x0;
	s30 =	sshrl.u32 s30, $0x3;
	[sflag:s19] =	ssyncset.done $0x0  }
0x27: {  	s2 =	simm.s32 $0x0;
	s30 =	sadd.s32 s5, s30;
	[sflag:s19] =	ssyncadd.s32 $0xFFFFC000  }
0x28: {  	[hbm4b:s30+s31] =	stream.linear.scatter [tilespmem:s15], [sflag:$0x5], $0x4000, $0x38;
	[tilespmem:$0x13280] =	vst v63  }
0x29: {  	v24 =	vld [tilespmem:s2+$0xB270]  }
0x2a: {  	v16 =	vld [tilespmem:s2+$0x3200]  }
0x2b: {  	v19 =	vld [tilespmem:s2+$0xB200]  }
0x2c: {  	v20 =	vld [tilespmem:s2+$0x3210]  }
0x2d: {  	v21 =	vld [tilespmem:s2+$0xB210]  }
0x2e: {  	v30 =	vld [tilespmem:s2+$0x3220]  }
0x2f: {  	v32 =	vld [tilespmem:s2+$0xB220];
	v22 =	vmul.f32 v24, v24;
	v31 =	vmul.f32 v16, v16  }
0x30: {  	v33 =	vld [tilespmem:s2+$0x3230];
	v16 =	vmul.f32 v19, v16;
	v19 =	vmul.f32 v19, v19  }
0x31: {  	v22 =	vadd.f32 v22, v12;
	v23 =	vadd.f32 v31, v23;
	v12 =	vmul.f32 v20, v20;
	v31 =	vld [tilespmem:s2+$0xB230]  }
0x32: {  	v34 =	vld [tilespmem:s2+$0x3240];
	v17 =	vadd.f32 v16, v17;
	v16 =	vmul.f32 v21, v20;
	v21 =	vmul.f32 v21, v21  }
0x33: {  	v35 =	vld [tilespmem:s2+$0xB240];
	v18 =	vadd.f32 v19, v18;
	v19 =	vadd.f32 v12, v26;
	v12 =	vmul.f32 v30, v30  }
0x34: {  	v20 =	vadd.f32 v16, v29;
	v26 =	vmul.f32 v32, v30;
	v32 =	vmul.f32 v32, v32;
	v29 =	vld [tilespmem:s2+$0x3250]  }
0x35: {  	v21 =	vadd.f32 v21, v14;
	v30 =	vld [tilespmem:s2+$0xB250];
	v16 =	vadd.f32 v12, v25;
	v25 =	vmul.f32 v33, v33  }
0x36: {  	v14 =	vadd.f32 v26, v28;
	v26 =	vld [tilespmem:s2+$0x3260];
	v12 =	vadd.f32 v32, v13;
	v33 =	vmul.f32 v31, v33  }
0x37: {  	v32 =	vmul.f32 v34, v34;
	v28 =	vld [tilespmem:s2+$0xB260];
	v31 =	vmul.f32 v31, v31;
	v13 =	vadd.f32 v25, v15  }
0x38: {  	s30 =	simm.s32 $0x80;
	s31 =	simm.s32 $0x400;
	v25 =	vld [tilespmem:s2+$0x3270];
	v15 =	vadd.f32 v33, v27;
	v33 =	vmul.f32 v35, v34;
	v27 =	vmul.f32 v35, v35  }
.LBB2_3:
0x39: {  	p0 =	sne.s32 s31, $0xFE00;
	v34 =	vld [tilespmem:s30+$0xB270];
	v4 =	vadd.f32 v31, v4;
	v7 =	vadd.f32 v32, v7;
	v31 =	vmul.f32 v29, v29  }
0x3a: {  	v32 =	vld [tilespmem:s30+$0x3200];
	v11 =	vadd.f32 v33, v11;
	v29 =	vmul.f32 v30, v29;
	v30 =	vmul.f32 v30, v30  }
0x3b: {  	v3 =	vadd.f32 v27, v3;
	v33 =	vld [tilespmem:s30+$0xB200];
	v6 =	vadd.f32 v31, v6;
	v27 =	vmul.f32 v26, v26  }
0x3c: {  	v31 =	vld [tilespmem:s30+$0x3210];
	v10 =	vadd.f32 v29, v10;
	v26 =	vmul.f32 v28, v26;
	v28 =	vmul.f32 v28, v28  }
0x3d: {  	v2 =	vadd.f32 v30, v2;
	v29 =	vld [tilespmem:s30+$0xB210];
	v30 =	vmul.f32 v24, v25;
	v25 =	vmul.f32 v25, v25  }
0x3e: {  	v5 =	vadd.f32 v27, v5;
	v35 =	vld [tilespmem:s30+$0x3220];
	v36 =	vmul.f32 v34, v34;
	v9 =	vadd.f32 v26, v9;
	v24 =	vmovc v34  }
0x3f: {  	v0 =	vadd.f32 v28, v0;
	v26 =	vmul.f32 v32, v32;
	v27 =	vld [tilespmem:s30+$0xB220];
	v8 =	vadd.f32 v30, v8  }
0x40: {  	v28 =	vmul.f32 v33, v32;
	v30 =	vmul.f32 v33, v33;
	v32 =	vld [tilespmem:s30+$0x3230];
	v22 =	vadd.f32 v36, v22  }
0x41: {  	v1 =	vadd.f32 v25, v1;
	v23 =	vadd.f32 v26, v23;
	v26 =	vmul.f32 v31, v31;
	v33 =	vld [tilespmem:s30+$0xB230]  }
0x42: {  	v17 =	vadd.f32 v28, v17;
	v25 =	vmul.f32 v29, v31;
	v28 =	vmul.f32 v29, v29;
	v34 =	vld [tilespmem:s30+$0x3240]  }
0x43: {  	v18 =	vadd.f32 v30, v18;
	v19 =	vadd.f32 v26, v19;
	v26 =	vmul.f32 v35, v35;
	v36 =	vld [tilespmem:s30+$0xB240]  }
.Ltmp0:
0x44: {  	v20 =	vadd.f32 v25, v20;
	v25 =	vmul.f32 v27, v35;
	v27 =	vmul.f32 v27, v27;
	v29 =	vld [tilespmem:s30+$0x3250];
	(pc) =	sbr.rel @p0 .LBB2_3-.Ltmp0, $4  }
0x45: {  	v21 =	vadd.f32 v28, v21;
	v16 =	vadd.f32 v26, v16;
	v28 =	vmul.f32 v32, v32;
	v30 =	vld [tilespmem:s30+$0xB250]  }
0x46: {  	v14 =	vadd.f32 v25, v14;
	v25 =	vmul.f32 v33, v32;
	v31 =	vmul.f32 v33, v33;
	v26 =	vld [tilespmem:s30+$0x3260]  }
0x47: {  	v12 =	vadd.f32 v27, v12;
	v13 =	vadd.f32 v28, v13;
	v32 =	vmul.f32 v34, v34;
	v28 =	vld [tilespmem:s30+$0xB260]  }
0x48: {  	v15 =	vadd.f32 v25, v15;
	v33 =	vmul.f32 v36, v34;
	v27 =	vmul.f32 v36, v36;
	v25 =	vld [tilespmem:s30+$0x3270];
	s30 =	sshra.s32 s31, $0x2;
	s31 =	sadd.s32 $0x200, s31  }
0x49: {  	v34 =	vld [tilespmem:s30+$0xB270]  }
0x4a: {  	v35 =	vld [tilespmem:s30+$0x3200]  }
0x4b: {  	v36 =	vld [tilespmem:s30+$0xB200]  }
0x4c: {  	v37 =	vld [tilespmem:s30+$0x3210]  }
0x4d: {  	v38 =	vld [tilespmem:s30+$0xB210]  }
0x4e: {  	v39 =	vld [tilespmem:s30+$0x3220]  }
0x4f: {  	v40 =	vld [tilespmem:s30+$0xB220]  }
0x50: {  	v41 =	vld [tilespmem:s30+$0x3230]  }
0x51: {  	v42 =	vld [tilespmem:s30+$0xB230]  }
0x52: {  	v43 =	vld [tilespmem:s30+$0x3240]  }
0x53: {  	v44 =	vld [tilespmem:s30+$0xB240]  }
0x54: {  	v45 =	vld [tilespmem:s30+$0x3250]  }
0x55: {  	v46 =	vld [tilespmem:s30+$0xB250]  }
0x56: {  	v47 =	vld [tilespmem:s30+$0x3260]  }
0x57: {  	v48 =	vld [tilespmem:s30+$0xB260];
	v4 =	vadd.f32 v31, v4;
	v7 =	vadd.f32 v32, v7;
	v31 =	vmul.f32 v29, v29  }
0x58: {  	v58 =	vld [tilespmem:s30+$0x3270];
	_ =	swait.ge [sflag:s20], $0x4000;
	p0 =	seq.s32 s26, $0x18;
	v11 =	vadd.f32 v33, v11;
	v29 =	vmul.f32 v30, v29;
	v30 =	vmul.f32 v30, v30  }
0x59: {  	v3 =	vadd.f32 v27, v3;
	[sflag:s20] =	ssyncset.done $0x0;
	s2 =	sadd.s32 @!p0 $0x100, s29;
	v6 =	vadd.f32 v31, v6;
	v27 =	vmul.f32 v28, v26  }
0x5a: {  	s30 =	simm.s32 @!p0 $0x80;
	s31 =	simm.s32 @!p0 $0x3200;
	[sflag:s20] =	ssyncadd.s32 $0xFFFFC000;
	v29 =	vadd.f32 v29, v10;
	v2 =	vadd.f32 v30, v2;
	v10 =	vmul.f32 v26, v26  }
0x5b: {  	v26 =	vmul.f32 v28, v28;
	[tilespmem:s31], [sflag:$0x1] =	stream.indirect.gather @!p0 [hbm4b:s1+s30], $0x80, s2, s30, $0xb8;
	v24 =	vmul.f32 v24, v25;
	v27 =	vadd.f32 v27, v9;
	[tilespmem:$0x13280] =	vst v63  }
0x5c: {  	s2 =	sadd.s32 @!p0 $0x1A00, s29;
	s29 =	simm.s32 @!p0 $0xB200;
	v9 =	vmul.f32 v34, v34;
	v28 =	vadd.f32 v10, v5;
	v5 =	vmul.f32 v35, v35  }
0x5d: {  	v26 =	vadd.f32 v26, v0;
	v0 =	vmul.f32 v25, v25;
	[tilespmem:s29], [sflag:$0x3] =	stream.indirect.gather @!p0 [hbm4b:s1+s30], $0x80, s2, s30, $0xb8;
	v25 =	vmul.f32 v48, v48;
	[tilespmem:$0x13280] =	vst v63  }
0x5e: {  	v24 =	vadd.f32 v24, v8;
	_ =	swait.ge [sflag:s21], $0x4000;
	v23 =	vadd.f32 v5, v23;
	v5 =	vmul.f32 v36, v35  }
0x5f: {  	v8 =	vmul.f32 v36, v36;
	v1 =	vadd.f32 v0, v1;
	v0 =	vmul.f32 v37, v37;
	[sflag:s21] =	ssyncset.done $0x0  }
0x60: {  	v22 =	vadd.f32 v9, v22;
	[sflag:s21] =	ssyncadd.s32 $0xFFFFC000;
	v17 =	vadd.f32 v5, v17;
	v5 =	vmul.f32 v38, v37  }
0x61: {  	s30 =	sadd.s32 s4, s28;
	v9 =	vmul.f32 v38, v38;
	v19 =	vadd.f32 v0, v19;
	v0 =	vmul.f32 v39, v39;
	_ =	swait.ge [sflag:s22], $0x4000  }
0x62: {  	s31 =	simm.s32 $0x0;
	s2 =	sshll.u32 s30, $0x4;
	v18 =	vadd.f32 v8, v18;
	[sflag:s22] =	ssyncset.done $0x0;
	v20 =	vadd.f32 v5, v20;
	v5 =	vmul.f32 v40, v39  }
0x63: {  	s28 =	simm.s32 $0x0;
	s2 =	sadd.s32 s5, s2;
	v8 =	vmul.f32 v40, v40;
	v16 =	vadd.f32 v0, v16;
	v0 =	vmul.f32 v41, v41;
	[sflag:s22] =	ssyncadd.s32 $0xFFFFC000  }
0x64: {  	v21 =	vadd.f32 v9, v21;
	[hbm4b:s2+s28] =	stream.linear.scatter [tilespmem:s17], [sflag:$0x6], $0x4000, $0x38;
	v30 =	vadd.f32 v5, v14;
	v5 =	vmul.f32 v42, v41;
	[tilespmem:$0x13280] =	vst v63  }
0x65: {  	v9 =	vmul.f32 v42, v42;
	v31 =	vadd.f32 v8, v12;
	v59 =	vadd.f32 v0, v13;
	v14 =	vld [tilespmem:s31+$0x7200]  }
0x66: {  	v0 =	vmul.f32 v43, v43;
	v61 =	vld [tilespmem:s31+$0x7240];
	v60 =	vadd.f32 v5, v15;
	v5 =	vmul.f32 v44, v43  }
0x67: {  	v12 =	vmul.f32 v44, v44;
	v8 =	vadd.f32 v9, v4;
	v4 =	vmul.f32 v45, v45;
	v62 =	vld [tilespmem:s31+$0xF240]  }
0x68: {  	v9 =	vadd.f32 v0, v7;
	v0 =	vld [tilespmem:s31+$0xF270];
	v10 =	vadd.f32 v5, v11;
	v5 =	vmul.f32 v46, v45  }
0x69: {  	v7 =	vmul.f32 v46, v46;
	v15 =	vld [tilespmem:s31+$0xF200];
	v11 =	vadd.f32 v12, v3;
	v3 =	vmul.f32 v48, v47  }
0x6a: {  	v12 =	vadd.f32 v4, v6;
	v4 =	vmul.f32 v47, v47;
	v13 =	vadd.f32 v5, v29;
	v29 =	vld [tilespmem:s31+$0x7210]  }
0x6b: {  	v5 =	vadd.f32 v7, v2;
	v7 =	vmul.f32 v34, v58;
	v2 =	vadd.f32 v3, v27;
	v27 =	vld [tilespmem:s31+$0xF210]  }
0x6c: {  	v32 =	vmul.f32 v58, v58;
	v6 =	vadd.f32 v4, v28;
	v3 =	vadd.f32 v25, v26;
	v25 =	vld [tilespmem:s31+$0x7220]  }
0x6d: {  	v26 =	vld [tilespmem:s31+$0xF220];
	v4 =	vadd.f32 v7, v24;
	v7 =	vmul.f32 v0, v0;
	v24 =	vmul.f32 v14, v14  }
0x6e: {  	v1 =	vadd.f32 v32, v1;
	v32 =	vmul.f32 v61, v61;
	v28 =	vld [tilespmem:s31+$0x7230];
	v14 =	vmul.f32 v15, v14  }
0x6f: {  	v15 =	vmul.f32 v15, v15;
	v22 =	vadd.f32 v7, v22;
	v23 =	vadd.f32 v24, v23;
	v24 =	vld [tilespmem:s31+$0xF230]  }
0x70: {  	v17 =	vadd.f32 v14, v17;
	v7 =	vmul.f32 v29, v29;
	v29 =	vmul.f32 v27, v29  }
0x71: {  	v18 =	vadd.f32 v15, v18;
	v27 =	vmul.f32 v27, v27;
	v15 =	vmul.f32 v25, v25  }
0x72: {  	v14 =	vadd.f32 v7, v19;
	v7 =	vadd.f32 v29, v20;
	v20 =	vmul.f32 v26, v25;
	v25 =	vld [tilespmem:s31+$0x7250]  }
0x73: {  	v33 =	vmul.f32 v62, v61;
	v29 =	vmul.f32 v26, v26;
	v19 =	vadd.f32 v27, v21;
	v27 =	vld [tilespmem:s31+$0xF250]  }
0x74: {  	v15 =	vadd.f32 v15, v16;
	v16 =	vmul.f32 v28, v28;
	v26 =	vld [tilespmem:s31+$0x7260];
	v63 =	vmul.f32 v24, v28  }
0x75: {  	v20 =	vadd.f32 v20, v30;
	v30 =	vmul.f32 v24, v24;
	v21 =	vadd.f32 v29, v31;
	v28 =	vld [tilespmem:s31+$0xF260]  }
0x76: {  	s29 =	simm.s32 $0x400;
	s28 =	simm.s32 $0x80;
	v16 =	vadd.f32 v16, v59;
	v31 =	vmul.f32 v62, v62;
	v29 =	vld [tilespmem:s31+$0x7270];
	v24 =	vadd.f32 v63, v60  }
.LBB2_5:
0x77: {  	p0 =	sne.s32 s29, $0xFE00;
	v34 =	vld [tilespmem:s28+$0xF270];
	v8 =	vadd.f32 v30, v8;
	v9 =	vadd.f32 v32, v9;
	v30 =	vmul.f32 v25, v25  }
0x78: {  	v32 =	vld [tilespmem:s28+$0x7200];
	v10 =	vadd.f32 v33, v10;
	v25 =	vmul.f32 v27, v25;
	v27 =	vmul.f32 v27, v27  }
0x79: {  	v11 =	vadd.f32 v31, v11;
	v33 =	vld [tilespmem:s28+$0xF200];
	v12 =	vadd.f32 v30, v12;
	v30 =	vmul.f32 v26, v26  }
0x7a: {  	v31 =	vld [tilespmem:s28+$0x7210];
	v13 =	vadd.f32 v25, v13;
	v25 =	vmul.f32 v28, v26;
	v26 =	vmul.f32 v28, v28  }
0x7b: {  	v5 =	vadd.f32 v27, v5;
	v28 =	vld [tilespmem:s28+$0xF210];
	v27 =	vmul.f32 v0, v29;
	v29 =	vmul.f32 v29, v29  }
0x7c: {  	v6 =	vadd.f32 v30, v6;
	v35 =	vld [tilespmem:s28+$0x7220];
	v36 =	vmul.f32 v34, v34;
	v2 =	vadd.f32 v25, v2;
	v0 =	vmovc v34  }
0x7d: {  	v3 =	vadd.f32 v26, v3;
	v25 =	vmul.f32 v32, v32;
	v30 =	vld [tilespmem:s28+$0xF220];
	v4 =	vadd.f32 v27, v4  }
0x7e: {  	v26 =	vmul.f32 v33, v32;
	v27 =	vmul.f32 v33, v33;
	v32 =	vld [tilespmem:s28+$0x7230];
	v22 =	vadd.f32 v36, v22  }
0x7f: {  	v1 =	vadd.f32 v29, v1;
	v23 =	vadd.f32 v25, v23;
	v25 =	vmul.f32 v31, v31;
	v33 =	vld [tilespmem:s28+$0xF230]  }
0x80: {  	v17 =	vadd.f32 v26, v17;
	v26 =	vmul.f32 v28, v31;
	v28 =	vmul.f32 v28, v28;
	v29 =	vld [tilespmem:s28+$0x7240]  }
0x81: {  	v18 =	vadd.f32 v27, v18;
	v14 =	vadd.f32 v25, v14;
	v27 =	vmul.f32 v35, v35;
	v31 =	vld [tilespmem:s28+$0xF240]  }
.Ltmp1:
0x82: {  	v7 =	vadd.f32 v26, v7;
	v26 =	vmul.f32 v30, v35;
	v34 =	vmul.f32 v30, v30;
	v25 =	vld [tilespmem:s28+$0x7250];
	(pc) =	sbr.rel @p0 .LBB2_5-.Ltmp1, $4  }
0x83: {  	v19 =	vadd.f32 v28, v19;
	v15 =	vadd.f32 v27, v15;
	v28 =	vmul.f32 v32, v32;
	v27 =	vld [tilespmem:s28+$0xF250]  }
0x84: {  	v20 =	vadd.f32 v26, v20;
	v35 =	vmul.f32 v33, v32;
	v30 =	vmul.f32 v33, v33;
	v26 =	vld [tilespmem:s28+$0x7260]  }
0x85: {  	v21 =	vadd.f32 v34, v21;
	v16 =	vadd.f32 v28, v16;
	v32 =	vmul.f32 v29, v29;
	v28 =	vld [tilespmem:s28+$0xF260]  }
0x86: {  	v24 =	vadd.f32 v35, v24;
	v33 =	vmul.f32 v31, v29;
	v31 =	vmul.f32 v31, v31;
	v29 =	vld [tilespmem:s28+$0x7270];
	s28 =	sshra.s32 s29, $0x2;
	s29 =	sadd.s32 $0x200, s29  }
0x87: {  	v34 =	vld [tilespmem:s28+$0xF270];
	v8 =	vadd.f32 v30, v8  }
0x88: {  	v9 =	vadd.f32 v32, v9;
	v30 =	vmul.f32 v25, v25;
	v61 =	vld [tilespmem:s28+$0x7200];
	v10 =	vadd.f32 v33, v10  }
0x89: {  	v62 =	vld [tilespmem:s28+$0xF200];
	v25 =	vmul.f32 v27, v25;
	v27 =	vmul.f32 v27, v27;
	v31 =	vadd.f32 v31, v11  }
0x8a: {  	v35 =	vld [tilespmem:s28+$0x7210];
	v30 =	vadd.f32 v30, v12;
	v11 =	vmul.f32 v26, v26;
	v12 =	vmul.f32 v28, v26  }
0x8b: {  	v36 =	vadd.f32 v25, v13;
	v13 =	vmul.f32 v28, v28;
	v25 =	vld [tilespmem:s28+$0xF210];
	v5 =	vadd.f32 v27, v5  }
0x8c: {  	v27 =	vld [tilespmem:s28+$0x7220];
	v0 =	vmul.f32 v0, v29;
	v26 =	vmul.f32 v29, v29;
	v38 =	vadd.f32 v11, v6  }
0x8d: {  	v6 =	vld [tilespmem:s28+$0xF220];
	v28 =	vmul.f32 v34, v34;
	v37 =	vadd.f32 v12, v2;
	v2 =	vmul.f32 v61, v61  }
0x8e: {  	v39 =	vadd.f32 v13, v3;
	v3 =	vld [tilespmem:s28+$0x7230];
	v40 =	vadd.f32 v0, v4;
	v0 =	vmul.f32 v62, v61  }
0x8f: {  	v4 =	vmul.f32 v62, v62;
	v1 =	vadd.f32 v26, v1;
	v23 =	vadd.f32 v2, v23;
	v2 =	vld [tilespmem:s28+$0xF230]  }
0x90: {  	v11 =	vmul.f32 v35, v35;
	v12 =	vadd.f32 v28, v22;
	v17 =	vadd.f32 v0, v17;
	v0 =	vld [tilespmem:s28+$0x7240]  }
0x91: {  	v13 =	vmul.f32 v25, v35;
	v22 =	vmul.f32 v25, v25;
	v18 =	vadd.f32 v4, v18;
	v4 =	vld [tilespmem:s28+$0xF240]  }
0x92: {  	v63 =	vld [tilespmem:s28+$0x7250];
	v26 =	vadd.f32 v11, v14;
	v11 =	vmul.f32 v27, v27;
	v27 =	vmul.f32 v6, v27  }
0x93: {  	v6 =	vmul.f32 v6, v6;
	v29 =	vadd.f32 v13, v7;
	v14 =	vadd.f32 v22, v19;
	v19 =	vld [tilespmem:s28+$0xF250]  }
0x94: {  	v25 =	vadd.f32 v11, v15;
	v7 =	vmul.f32 v3, v3;
	v28 =	vadd.f32 v27, v20;
	v20 =	vld [tilespmem:s28+$0x7260]  }
0x95: {  	v13 =	vadd.f32 v6, v21;
	v21 =	vld [tilespmem:s28+$0xF260];
	v3 =	vmul.f32 v2, v3;
	v2 =	vmul.f32 v2, v2  }
0x96: {  	v15 =	vadd.f32 v7, v16;
	v6 =	vmul.f32 v0, v0;
	v0 =	vmul.f32 v4, v0  }
0x97: {  	v16 =	vld [tilespmem:s28+$0x7270];
	v27 =	vadd.f32 v3, v24;
	v3 =	vmul.f32 v4, v4;
	v4 =	vadd.f32 v2, v8  }
0x98: {  	s26 =	sadd.s32 $0x1, s26;
	v2 =	vmul.f32 v63, v63;
	v7 =	vadd.f32 v6, v9;
	v11 =	vadd.f32 v0, v10  }
0x99: {  	p0 =	sne.s32 s26, $0x19;
	v0 =	vmul.f32 v19, v63;
	v8 =	vmul.f32 v19, v19;
	v3 =	vadd.f32 v3, v31  }
.Ltmp2:
0x9a: {  	v6 =	vadd.f32 v2, v30;
	v19 =	vmul.f32 v20, v20;
	v9 =	vmul.f32 v21, v20;
	(pc) =	sbr.rel @p0 .LBB2_2-.Ltmp2, $4  }
0x9b: {  	v10 =	vadd.f32 v0, v36;
	v0 =	vmul.f32 v21, v21;
	v2 =	vadd.f32 v8, v5  }
0x9c: {  	v8 =	vmul.f32 v34, v16;
	v16 =	vmul.f32 v16, v16;
	v9 =	vadd.f32 v9, v37  }
0x9d: {  	v5 =	vadd.f32 v19, v38;
	v0 =	vadd.f32 v0, v39  }
0x9e: {  	v8 =	vadd.f32 v8, v40;
	v1 =	vadd.f32 v16, v1  }
0x9f: {  	v16 =	vadd.f32 v29, v17  }
0xa0: {  	v58 =	vadd.f32 v27, v28;
	v10 =	vadd.f32 v10, v11  }
0xa1: {  	v60 =	vadd.f32 v26, v23;
	v61 =	vadd.f32 v15, v25  }
0xa2: {  	v6 =	vadd.f32 v6, v7;
	v62 =	vadd.f32 v14, v18  }
0xa3: {  	v4 =	vadd.f32 v4, v13;
	v2 =	vadd.f32 v2, v3  }
0xa4: {  	v0 =	vadd.f32 v12, v0;
	v8 =	vadd.f32 v8, v9  }
0xa5: {  	v1 =	vadd.f32 v1, v5;
	v59 =	vadd.f32 v58, v16  }
0xa6: {  	v4 =	vadd.f32 v4, v62;
	v0 =	vadd.f32 v0, v2  }
0xa7: {  	_ =	swait.ge [sflag:s23], $0x4000;
	v63 =	vadd.f32 v61, v60;
	v8 =	vadd.f32 v8, v10  }
0xa8: {  	[sflag:s23] =	ssyncset.done $0x0;
	v1 =	vadd.f32 v1, v6;
	v0 =	vadd.f32 v0, v4  }
0xa9: {  	[sflag:s23] =	ssyncadd.s32 $0xFFFFC000;
	v8 =	vadd.f32 v8, v59  }
0xaa: {  	s25 =	sadd.s32 $0x1, s25;
	v1 =	vadd.f32 v1, v63;
	[tilespmem:$0x13220] =	vst v0  }
0xab: {  	p0 =	sne.s32 s25, s10;
	[tilespmem:$0x13200] =	vst v8  }
.Ltmp3:
0xac: {  	[tilespmem:$0x13210] =	vst v1;
	(pc) =	sbr.rel @p0 .LBB2_1-.Ltmp3, $4  }
0xad: {  	[hbm4b:s9+s3] =	stream.linear.scatter [tilespmem:s24], [sflag:$0x7], $0x80, $0x38;
	[tilespmem:$0x13280] =	vst v63  }
0xae: {  	_ =	swait.ge [sflag:s11], $0x80  }
0xaf: {  	[sflag:s11] =	ssyncset.done $0x0  }
0xb0: {  	[sflag:s11] =	ssyncadd.s32 $0xFFFFFF80  }
0xb1: {  	_ =	sfence.sel $0x180000  }
0xb2: {  	[bflag:$0x0] =	sbarrier.arrive $0xFFFF  }
0xb3: {  	_ =	strace $0x90000047  }
0xb4: {  	[bflag:$0x2] =	sbarrier.arrive $0xFFFF  }
0xb5: {  	p0 =	sne.s32 s0, $0x0;
	s0 =	rddreg [dreg:$0x3]  }
0xb6: {  	s0 =	sadd.s32 @!p0 $0x100000, s0  }
0xb7: {  	[sflag:s0] =	ssyncadd.tile.s32 @!p0 $0x1;
	_ =	shalt  }
.Lfunc_end2:
_tile_overlayer_lowered:
.L_overlay_start_2:
0xb8: {  	(tag) =	ssettag $0x2  }
0xb9: {  	s0 =	rddreg [dreg:$0x0];
	s2 =	stileid.u32  }
0xba: {  	s1 =	rddreg [dreg:$0x1];
	p0 =	sne.s32 s2, $0x0  }
0xbb: {  	s3 =	rddreg [dreg:$0x2];
	[bflag:$0x3] =	sbarrier.arrive $0xFFFF;
	s2 =	simm.s32 @!p0 $0x1C07  }
0xbc: {  	[timem:s3], [sflag:s2] =	dma.local @!p0 [hbm:s0], s1  }
0xbd: {  	s0 =	simm.s32 @!p0 $0x7  }
0xbe: {  	_ =	swait.ge @!p0 [sflag:s0], s1  }
0xbf: {  	s1 =	ssub.s32 @!p0 $0x0, s1;
	[sflag:s0] =	ssyncset.done @!p0 $0x0  }
0xc0: {  	[sflag:s0] =	ssyncadd.s32 @!p0 s1  }
0xc1: {  	[bflag:$0x3] =	sbarrier.arrive $0xFFFF  }
0xc2: {  	_ =	shalt  }

</sc_bundles>
